<compile_context>
chip_gen: v7x
topology: tpu7x:2x2x1
jax: 0.10.2.dev20260603
libtpu: 0.0.44.dev20260713+nightly
codegen_flags: <defaults>
</compile_context>

<pallas_src>
import functools

import jax
import jax.numpy as jnp
from jax import lax
from jax.experimental import pallas as pl
from jax.experimental.pallas import tpu as pltpu
from jax.experimental.pallas import tpu_sc as plsc

NUM_POINTS = 1000000
DIM = 64
BATCH = 16384

P_STREAM = 999936
CHUNK = 256
N_CHUNKS = P_STREAM // CHUNK
HALF = 61
ROWCAP = 352
STAGE = 712
OUT_ROWS = BATCH + 32


def kernel(idx, weight):
    info = plsc.get_sparse_core_info()

    mesh = plsc.VectorSubcoreMesh(core_axis_name="c", subcore_axis_name="s")

    @functools.partial(
        pl.kernel,
        mesh=mesh,
        out_type=jax.ShapeDtypeStruct((OUT_ROWS, 2 * DIM), jnp.float32),
        scratch_types=[
            pltpu.VMEM((2048,), jnp.int32),
            pltpu.VMEM((STAGE,), jnp.int32),
            pltpu.VMEM((STAGE,), jnp.int32),
            pltpu.VMEM((ROWCAP,), jnp.int32),
            pltpu.VMEM((DIM, CHUNK), jnp.float32),
            pltpu.VMEM((DIM, CHUNK), jnp.float32),
            pltpu.VMEM((DIM, CHUNK), jnp.float32),
            pltpu.VMEM((DIM, CHUNK), jnp.float32),
            pltpu.VMEM((ROWCAP, 2 * DIM), jnp.float32),
            pltpu.SemaphoreType.DMA,
            pltpu.SemaphoreType.DMA,
            pltpu.SemaphoreType.DMA,
            pltpu.SemaphoreType.DMA,
        ],
        compiler_params=pltpu.CompilerParams(
            use_tc_tiling_on_sc=True, needs_layout_passes=False
        ),
    )
    def gather_kernel(sp_hbm, so_hbm, wt_hbm, tail_hbm, out_hbm, scan_b,
                      seg_p, seg_j, slot_v, buf0, buf1, buf2, buf3, rows_b,
                      sem0, sem1, sem2, sem3):
        wid = lax.axis_index("s") * info.num_cores + lax.axis_index("c")
        c0 = 122 * wid + jnp.minimum(wid, 2)
        nck = 122 + jnp.where(wid < 2, 1, 0)
        my_start = c0 * CHUNK
        zeros16 = jnp.zeros((16,), jnp.int32)

        def piece(p, s):
            pltpu.sync_copy(sp_hbm.at[pl.ds(p * 2048, 2048)], scan_b)

            def vv(k, s2):
                v = scan_b[pl.ds(k * 16, 16)]
                return s2 + jnp.sum((v < my_start).astype(jnp.int32))

            return lax.fori_loop(0, 128, vv, s)

        lo = lax.fori_loop(0, 8, piece, jnp.int32(0))
        lo8 = pl.multiple_of((lo // 8) * 8, 8)
        pltpu.sync_copy(sp_hbm.at[pl.ds(lo8, STAGE)], seg_p)
        pltpu.sync_copy(so_hbm.at[pl.ds(lo8, STAGE)], seg_j)

        trash = BATCH + wid

        def prefill(k, c):
            slot_v[pl.ds(k * 16, 16)] = zeros16 + trash
            return c

        def process(pbase, size, buf, g, mc):
            def step(k, st):
                gg, mcc, act = st
                off = pl.multiple_of(gg * 16, 16)
                pv = seg_p[pl.ds(off, 16)]
                jv = seg_j[pl.ds(off, 16)]
                below = pv < (pbase + size)
                m = (pv >= pbase) & below & act
                mi = m.astype(jnp.int32)
                cnt = jnp.sum(mi)
                pref = plsc.cumsum(mi) - 1
                dst = jnp.minimum(mcc + pref, ROWCAP - 1)
                col = pv - pbase

                @pl.when(cnt > 0)
                def _():
                    plsc.store_scatter(slot_v, [dst], jv, mask=m)

                    def dl(d, c2):
                        vals = plsc.load_gather(buf, [zeros16 + d, col],
                                                mask=m)
                        plsc.store_scatter(rows_b, [dst, zeros16 + d], vals,
                                           mask=m)
                        return c2

                    lax.fori_loop(0, DIM, dl, 0)

                adv = act & (jnp.sum(below.astype(jnp.int32)) == 16)
                g2 = jnp.where(adv, jnp.minimum(gg + 1, STAGE // 16 - 2), gg)
                return (g2, mcc + cnt, adv)

            g, mc, _ = lax.fori_loop(0, 8, step, (g, mc, jnp.bool_(True)))
            return g, mc

        def run_half(h, g):
            cbeg = HALF * h
            cend = jnp.minimum(jnp.int32(HALF), nck) if h == 0 else nck
            bufs = ((buf0, sem0), (buf1, sem1), (buf2, sem2), (buf3, sem3))
            lax.fori_loop(0, ROWCAP // 16, prefill, 0)
            for b in range(4):
                pltpu.make_async_copy(
                    wt_hbm.at[:, pl.ds(
                        pl.multiple_of((c0 + cbeg + b) * CHUNK, CHUNK),
                        CHUNK)],
                    bufs[b][0], bufs[b][1]).start()

            def quad(t, st):
                g, mc = st
                for b, (buf, sem) in enumerate(bufs):
                    c = cbeg + 4 * t + b

                    @pl.when(c < cend)
                    def _():
                        pltpu.make_async_copy(
                            wt_hbm.at[:, pl.ds(0, CHUNK)], buf, sem).wait()

                    valid = c < cend
                    pbase = jnp.where(valid, (c0 + c) * CHUNK, 0)
                    size = jnp.where(valid, CHUNK, 0)
                    g, mc = process(pbase, size, buf, g, mc)

                    @pl.when(c + 4 < cend)
                    def _():
                        pltpu.make_async_copy(
                            wt_hbm.at[:, pl.ds(
                                pl.multiple_of((c0 + c + 4) * CHUNK, CHUNK),
                                CHUNK)],
                            buf, sem).start()
                return (g, mc)

            g, mc = lax.fori_loop(0, (HALF + 3) // 4, quad,
                                  (g, jnp.int32(0)))
            return g, mc

        g = jnp.int32(0)
        g, _ = run_half(0, g)
        pltpu.async_copy(rows_b, out_hbm.at[slot_v], sem0).wait()

        g, mc = run_half(1, g)
        pltpu.sync_copy(tail_hbm, buf0.at[:, pl.ds(0, 2 * DIM)])
        g, mc = process(jnp.int32(P_STREAM), jnp.int32(2 * DIM), buf0, g, mc)
        pltpu.async_copy(rows_b, out_hbm.at[slot_v], sem0).wait()

    idx32 = idx.astype(jnp.int32)
    sp, order = lax.sort_key_val(idx32, jnp.arange(BATCH, dtype=jnp.int32))
    pad_i = jnp.full((STAGE + 24,), 1 << 30, jnp.int32)
    sp_pad = jnp.concatenate([sp, pad_i])
    so_pad = jnp.concatenate([order, jnp.zeros((STAGE + 24,), jnp.int32)])
    wt_tail = jnp.pad(weight[P_STREAM:].T,
                      ((0, 0), (0, 2 * DIM - (NUM_POINTS - P_STREAM))))
    out128 = gather_kernel(sp_pad, so_pad, weight.T, wt_tail)
    return out128[:BATCH, :DIM]

# --- scband reference (transcript-rebuilt; emitter-appended) ---
"""Pipeline reference for scband-particles-5351529251132 (READ-ONLY COPY).

The authoritative reference and input builder live on the scoring server;
editing this copy changes nothing except your own understanding.
"""

import jax, jax.numpy as jnp
import numpy as np

NUM_POINTS = 1000000
DIM = 64
BATCH = 16384

def setup_inputs(seed: int = 0) -> dict:
    key = jax.random.key(seed)
    k_idx, k_w = jax.random.split(key)
    idx = jax.random.randint(k_idx, (BATCH,), 0, NUM_POINTS, dtype=jnp.int64 if jax.config.jax_enable_x64 else jnp.int32)
    # nn.Embedding weight initialized uniform_(-0.01, 0.01)
    weight = jax.random.uniform(k_w, (NUM_POINTS, DIM), dtype=jnp.float32, minval=-0.01, maxval=0.01)
    return {"idx": idx, "weight": weight}

def reference(idx, weight):
    # Particles.forward: return self.embedding(idx)
    return jnp.take(weight, idx, axis=0)

if __name__ == "__main__":
    import jax
    _d = setup_inputs()
    print(jax.jit(kernel)(*tuple(_d.values())))

</pallas_src>

<mosaic_0001>
#map = affine_map<(d0, d1) -> (0)>
#map1 = affine_map<(d0, d1) -> (0, 0)>
module attributes {stable_mosaic.version = 14 : i64} {
  func.func @gather_kernel(%arg0: i32, %arg1: i32, %arg2: memref<17120xi32, #tpu.memory_space<hbm>>, %arg3: memref<17120xi32, #tpu.memory_space<hbm>>, %arg4: memref<64x1000000xf32, #tpu.memory_space<hbm>>, %arg5: memref<64x128xf32, #tpu.memory_space<hbm>>, %arg6: memref<16416x128xf32, #tpu.memory_space<hbm>>, %arg7: memref<2048xi32, #tpu.memory_space<vmem>>, %arg8: memref<712xi32, #tpu.memory_space<vmem>>, %arg9: memref<712xi32, #tpu.memory_space<vmem>>, %arg10: memref<352xi32, #tpu.memory_space<vmem>>, %arg11: memref<64x256xf32, #tpu.memory_space<vmem>>, %arg12: memref<64x256xf32, #tpu.memory_space<vmem>>, %arg13: memref<64x256xf32, #tpu.memory_space<vmem>>, %arg14: memref<64x256xf32, #tpu.memory_space<vmem>>, %arg15: memref<352x128xf32, #tpu.memory_space<vmem>>, %arg16: memref<!tpu.dma_semaphore, #tpu.memory_space<semaphore_mem>>, %arg17: memref<!tpu.dma_semaphore, #tpu.memory_space<semaphore_mem>>, %arg18: memref<!tpu.dma_semaphore, #tpu.memory_space<semaphore_mem>>, %arg19: memref<!tpu.dma_semaphore, #tpu.memory_space<semaphore_mem>>) attributes {dimension_semantics = [#tpu.dimension_semantics<core_parallel>, #tpu.dimension_semantics<subcore_parallel>], iteration_bounds = array<i64: 2, 16>, scalar_prefetch = 0 : i64, scratch_operands = 13 : i64, tpu.core_type = #tpu.core_type<sc_vector_subcore>, window_params = [{transform_indices = #map}, {transform_indices = #map}, {transform_indices = #map1}, {transform_indices = #map1}, {transform_indices = #map1}]} {
    %mul3A = arith.constant 2 : i32
    %mul3A_0 = arith.muli %arg1, %mul3A : i32
    %add3A = arith.addi %mul3A_0, %arg0 : i32
    %mul3A_1 = arith.constant 122 : i32
    %mul3A_2 = arith.muli %mul3A_1, %add3A : i32
    %min3A = arith.constant 2 : i32
    %min3A_3 = arith.minsi %add3A, %min3A : i32
    %add3A_4 = arith.addi %mul3A_2, %min3A_3 : i32
    %lt3A = arith.constant 2 : i32
    %lt3A_5 = arith.cmpi slt, %add3A, %lt3A : i32
    %jit3A = arith.constant 1 : i32
    %jit3A_6 = arith.constant 0 : i32
    %select_n3A = arith.select %lt3A_5, %jit3A, %jit3A_6 : i32
    %add3A_7 = arith.constant 122 : i32
    %add3A_8 = arith.addi %add3A_7, %select_n3A : i32
    %mul3A_9 = arith.constant 256 : i32
    %mul3A_10 = arith.muli %add3A_4, %mul3A_9 : i32
    %broadcast_in_dim3A = arith.constant 0 : i32
    %broadcast_in_dim3A_11 = vector.broadcast %broadcast_in_dim3A : i32 to vector<16xi32>
    %scan3A = arith.constant 0 : i32
    %scan3A_12 = arith.constant 0 : i32
    %scan3A_13 = arith.constant 8 : i32
    %scan3A_14 = arith.addi %scan3A_12, %scan3A_13 : i32
    %scan3A_15 = arith.constant 1 : i32
    %scan3A_16 = scf.for %scan3A_176 = %scan3A_12 to %scan3A_14 step %scan3A_15 iter_args(%scan3A_177 = %scan3A) -> (i32)  : i32 {
      %mul3A_178 = arith.constant 2048 : i32
      %mul3A_179 = arith.muli %scan3A_176, %mul3A_178 : i32
      "tpu.region"() ({
        %run_scoped3A = tpu.sem_alloc : memref<!tpu.dma_semaphore, #tpu.memory_space<semaphore_mem>>
        %dma_start3A_186 = tpu.memref_slice %arg2[%mul3A_179] : memref<17120xi32, #tpu.memory_space<hbm>> -> memref<2048xi32, #tpu.memory_space<hbm>>
        %dma_start3A_187 = tpu.memref_slice %arg2[%mul3A_179] : memref<17120xi32, #tpu.memory_space<hbm>> -> memref<2048xi32, #tpu.memory_space<hbm>>
        tpu.enqueue_dma source(%dma_start3A_187 : memref<2048xi32, #tpu.memory_space<hbm>>) target(%arg7 : memref<2048xi32, #tpu.memory_space<vmem>>) target_semaphore(%run_scoped3A : memref<!tpu.dma_semaphore, #tpu.memory_space<semaphore_mem>>)
        %dma_wait3A_188 = tpu.memref_slice %arg2[%mul3A_179] : memref<17120xi32, #tpu.memory_space<hbm>> -> memref<2048xi32, #tpu.memory_space<hbm>>
        %dma_wait3A_189 = tpu.memref_slice %arg2[%mul3A_179] : memref<17120xi32, #tpu.memory_space<hbm>> -> memref<2048xi32, #tpu.memory_space<hbm>>
        tpu.wait_dma2 semaphore(%run_scoped3A : memref<!tpu.dma_semaphore, #tpu.memory_space<semaphore_mem>>) src(%dma_wait3A_189 : memref<2048xi32, #tpu.memory_space<hbm>>) dst(%arg7 : memref<2048xi32, #tpu.memory_space<vmem>>)
        tpu.yield
      }) : () -> ()
      %scan3A_180 = arith.constant 0 : i32
      %scan3A_181 = arith.constant 128 : i32
      %scan3A_182 = arith.addi %scan3A_180, %scan3A_181 : i32
      %scan3A_183 = arith.constant 1 : i32
      %scan3A_184 = scf.for %scan3A_186 = %scan3A_180 to %scan3A_182 step %scan3A_183 iter_args(%scan3A_187 = %scan3A_177) -> (i32)  : i32 {
        %mul3A_188 = arith.constant 16 : i32
        %mul3A_189 = arith.muli %scan3A_186, %mul3A_188 : i32
        %get3A = arith.index_cast %mul3A_189 : i32 to index
        %get3A_190 = tpu.vector_load %arg7[%get3A] {strides = array<i32>} : memref<2048xi32, #tpu.memory_space<vmem>>, vector<16xi32>,
        %lt3A_191 = vector.broadcast %mul3A_10 : i32 to vector<16xi32>
        %lt3A_192 = arith.cmpi slt, %get3A_190, %lt3A_191 : vector<16xi32>
        %convert_element_type3A = arith.extui %lt3A_192 : vector<16xi1> to vector<16xi32>
        %reduce_sum3A = arith.constant true
        %reduce_sum3A_193 = vector.broadcast %reduce_sum3A : i1 to vector<16xi1>
        %reduce_sum3A_194 = tpu.scan <sum>, %convert_element_type3A masked %reduce_sum3A_193 : vector<16xi32>, vector<16xi1> -> vector<16xi32>
        %reduce_sum3A_195 = vector.extract %reduce_sum3A_194[15] : i32 from vector<16xi32>
        %add3A_196 = arith.addi %scan3A_187, %reduce_sum3A_195 : i32
        scf.yield %add3A_196 : i32
      }
      %scan3A_185 = arith.constant 128 : i32
      scf.yield %scan3A_184 : i32
    }
    %scan3A_17 = arith.constant 8 : i32
    %jit3A_18 = arith.constant 8 : i32
    %div3A = arith.divsi %scan3A_16, %jit3A_18 : i32
    %sign3A = arith.constant 0 : i32
    %sign3A_19 = arith.cmpi sgt, %scan3A_16, %sign3A : i32
    %sign3A_20 = arith.extui %sign3A_19 : i1 to i32
    %sign3A_21 = arith.constant 0 : i32
    %sign3A_22 = arith.cmpi slt, %scan3A_16, %sign3A_21 : i32
    %sign3A_23 = arith.extui %sign3A_22 : i1 to i32
    %sign3A_24 = arith.subi %sign3A_20, %sign3A_23 : i32
    %sign3A_25 = arith.constant 0 : i32
    %sign3A_26 = arith.cmpi sgt, %jit3A_18, %sign3A_25 : i32
    %sign3A_27 = arith.extui %sign3A_26 : i1 to i32
    %sign3A_28 = arith.constant 0 : i32
    %sign3A_29 = arith.cmpi slt, %jit3A_18, %sign3A_28 : i32
    %sign3A_30 = arith.extui %sign3A_29 : i1 to i32
    %sign3A_31 = arith.subi %sign3A_27, %sign3A_30 : i32
    %ne3A = arith.cmpi ne, %sign3A_24, %sign3A_31 : i32
    %rem3A = arith.remsi %scan3A_16, %jit3A_18 : i32
    %ne3A_32 = arith.constant 0 : i32
    %ne3A_33 = arith.cmpi ne, %rem3A, %ne3A_32 : i32
    %and3A = arith.andi %ne3A, %ne3A_33 : i1
    %sub3A = arith.constant 1 : i32
    %sub3A_34 = arith.subi %div3A, %sub3A : i32
    %select_n3A_35 = arith.select %and3A, %sub3A_34, %div3A : i32
    %mul3A_36 = arith.constant 8 : i32
    %mul3A_37 = arith.muli %select_n3A_35, %mul3A_36 : i32
    %multiple_of3A = tpu.assume_multiple %mul3A_37, 8 : i32
    "tpu.region"() ({
      %run_scoped3A = tpu.sem_alloc : memref<!tpu.dma_semaphore, #tpu.memory_space<semaphore_mem>>
      %dma_start3A_176 = tpu.memref_slice %arg2[%multiple_of3A] : memref<17120xi32, #tpu.memory_space<hbm>> -> memref<712xi32, #tpu.memory_space<hbm>>
      %dma_start3A_177 = tpu.memref_slice %arg2[%multiple_of3A] : memref<17120xi32, #tpu.memory_space<hbm>> -> memref<712xi32, #tpu.memory_space<hbm>>
      tpu.enqueue_dma source(%dma_start3A_177 : memref<712xi32, #tpu.memory_space<hbm>>) target(%arg8 : memref<712xi32, #tpu.memory_space<vmem>>) target_semaphore(%run_scoped3A : memref<!tpu.dma_semaphore, #tpu.memory_space<semaphore_mem>>)
      %dma_wait3A_178 = tpu.memref_slice %arg2[%multiple_of3A] : memref<17120xi32, #tpu.memory_space<hbm>> -> memref<712xi32, #tpu.memory_space<hbm>>
      %dma_wait3A_179 = tpu.memref_slice %arg2[%multiple_of3A] : memref<17120xi32, #tpu.memory_space<hbm>> -> memref<712xi32, #tpu.memory_space<hbm>>
      tpu.wait_dma2 semaphore(%run_scoped3A : memref<!tpu.dma_semaphore, #tpu.memory_space<semaphore_mem>>) src(%dma_wait3A_179 : memref<712xi32, #tpu.memory_space<hbm>>) dst(%arg8 : memref<712xi32, #tpu.memory_space<vmem>>)
      tpu.yield
    }) : () -> ()
    "tpu.region"() ({
      %run_scoped3A = tpu.sem_alloc : memref<!tpu.dma_semaphore, #tpu.memory_space<semaphore_mem>>
      %dma_start3A_176 = tpu.memref_slice %arg3[%multiple_of3A] : memref<17120xi32, #tpu.memory_space<hbm>> -> memref<712xi32, #tpu.memory_space<hbm>>
      %dma_start3A_177 = tpu.memref_slice %arg3[%multiple_of3A] : memref<17120xi32, #tpu.memory_space<hbm>> -> memref<712xi32, #tpu.memory_space<hbm>>
      tpu.enqueue_dma source(%dma_start3A_177 : memref<712xi32, #tpu.memory_space<hbm>>) target(%arg9 : memref<712xi32, #tpu.memory_space<vmem>>) target_semaphore(%run_scoped3A : memref<!tpu.dma_semaphore, #tpu.memory_space<semaphore_mem>>)
      %dma_wait3A_178 = tpu.memref_slice %arg3[%multiple_of3A] : memref<17120xi32, #tpu.memory_space<hbm>> -> memref<712xi32, #tpu.memory_space<hbm>>
      %dma_wait3A_179 = tpu.memref_slice %arg3[%multiple_of3A] : memref<17120xi32, #tpu.memory_space<hbm>> -> memref<712xi32, #tpu.memory_space<hbm>>
      tpu.wait_dma2 semaphore(%run_scoped3A : memref<!tpu.dma_semaphore, #tpu.memory_space<semaphore_mem>>) src(%dma_wait3A_179 : memref<712xi32, #tpu.memory_space<hbm>>) dst(%arg9 : memref<712xi32, #tpu.memory_space<vmem>>)
      tpu.yield
    }) : () -> ()
    %add3A_38 = arith.constant 16384 : i32
    %add3A_39 = arith.addi %add3A_38, %add3A : i32
    %min3A_40 = arith.constant 61 : i32
    %min3A_41 = arith.minsi %min3A_40, %add3A_8 : i32
    %scan3A_42 = arith.constant 0 : i32
    %scan3A_43 = arith.constant 0 : i32
    %scan3A_44 = arith.constant 22 : i32
    %scan3A_45 = arith.addi %scan3A_43, %scan3A_44 : i32
    %scan3A_46 = arith.constant 1 : i32
    scf.for %scan3A_176 = %scan3A_43 to %scan3A_45 step %scan3A_46  : i32 {
      %add3A_177 = vector.broadcast %add3A_39 : i32 to vector<16xi32>
      %add3A_178 = arith.addi %broadcast_in_dim3A_11, %add3A_177 : vector<16xi32>
      %mul3A_179 = arith.constant 16 : i32
      %mul3A_180 = arith.muli %scan3A_176, %mul3A_179 : i32
      %swap3A = arith.index_cast %mul3A_180 : i32 to index
      %swap3A_181 = tpu.vector_load %arg10[%swap3A] {strides = array<i32>} : memref<352xi32, #tpu.memory_space<vmem>>, vector<16xi32>,
      tpu.vector_store %arg10[%swap3A], %add3A_178 {strides = array<i32>} : memref<352xi32, #tpu.memory_space<vmem>>, vector<16xi32>,
    }
    %scan3A_47 = arith.constant 22 : i32
    %add3A_48 = arith.constant 0 : i32
    %add3A_49 = arith.addi %add3A_4, %add3A_48 : i32
    %add3A_50 = arith.constant 0 : i32
    %add3A_51 = arith.addi %add3A_49, %add3A_50 : i32
    %mul3A_52 = arith.constant 256 : i32
    %mul3A_53 = arith.muli %add3A_51, %mul3A_52 : i32
    %multiple_of3A_54 = tpu.assume_multiple %mul3A_53, 256 : i32
    %dma_start3A = arith.constant 0 : i32
    %dma_start3A_55 = tpu.memref_slice %arg4[%dma_start3A, %multiple_of3A_54] : memref<64x1000000xf32, #tpu.memory_space<hbm>> -> memref<64x256xf32, #tpu.memory_space<hbm>>
    %dma_start3A_56 = arith.constant 0 : i32
    %dma_start3A_57 = tpu.memref_slice %arg4[%dma_start3A_56, %multiple_of3A_54] : memref<64x1000000xf32, #tpu.memory_space<hbm>> -> memref<64x256xf32, #tpu.memory_space<hbm>>
    tpu.enqueue_dma source(%dma_start3A_57 : memref<64x256xf32, #tpu.memory_space<hbm>>) target(%arg11 : memref<64x256xf32, #tpu.memory_space<vmem>>) target_semaphore(%arg16 : memref<!tpu.dma_semaphore, #tpu.memory_space<semaphore_mem>>)
    %add3A_58 = arith.constant 0 : i32
    %add3A_59 = arith.addi %add3A_4, %add3A_58 : i32
    %add3A_60 = arith.constant 1 : i32
    %add3A_61 = arith.addi %add3A_59, %add3A_60 : i32
    %mul3A_62 = arith.constant 256 : i32
    %mul3A_63 = arith.muli %add3A_61, %mul3A_62 : i32
    %multiple_of3A_64 = tpu.assume_multiple %mul3A_63, 256 : i32
    %dma_start3A_65 = arith.constant 0 : i32
    %dma_start3A_66 = tpu.memref_slice %arg4[%dma_start3A_65, %multiple_of3A_64] : memref<64x1000000xf32, #tpu.memory_space<hbm>> -> memref<64x256xf32, #tpu.memory_space<hbm>>
    %dma_start3A_67 = arith.constant 0 : i32
    %dma_start3A_68 = tpu.memref_slice %arg4[%dma_start3A_67, %multiple_of3A_64] : memref<64x1000000xf32, #tpu.memory_space<hbm>> -> memref<64x256xf32, #tpu.memory_space<hbm>>
    tpu.enqueue_dma source(%dma_start3A_68 : memref<64x256xf32, #tpu.memory_space<hbm>>) target(%arg12 : memref<64x256xf32, #tpu.memory_space<vmem>>) target_semaphore(%arg17 : memref<!tpu.dma_semaphore, #tpu.memory_space<semaphore_mem>>)
    %add3A_69 = arith.constant 0 : i32
    %add3A_70 = arith.addi %add3A_4, %add3A_69 : i32
    %add3A_71 = arith.constant 2 : i32
    %add3A_72 = arith.addi %add3A_70, %add3A_71 : i32
    %mul3A_73 = arith.constant 256 : i32
    %mul3A_74 = arith.muli %add3A_72, %mul3A_73 : i32
    %multiple_of3A_75 = tpu.assume_multiple %mul3A_74, 256 : i32
    %dma_start3A_76 = arith.constant 0 : i32
    %dma_start3A_77 = tpu.memref_slice %arg4[%dma_start3A_76, %multiple_of3A_75] : memref<64x1000000xf32, #tpu.memory_space<hbm>> -> memref<64x256xf32, #tpu.memory_space<hbm>>
    %dma_start3A_78 = arith.constant 0 : i32
    %dma_start3A_79 = tpu.memref_slice %arg4[%dma_start3A_78, %multiple_of3A_75] : memref<64x1000000xf32, #tpu.memory_space<hbm>> -> memref<64x256xf32, #tpu.memory_space<hbm>>
    tpu.enqueue_dma source(%dma_start3A_79 : memref<64x256xf32, #tpu.memory_space<hbm>>) target(%arg13 : memref<64x256xf32, #tpu.memory_space<vmem>>) target_semaphore(%arg18 : memref<!tpu.dma_semaphore, #tpu.memory_space<semaphore_mem>>)
    %add3A_80 = arith.constant 0 : i32
    %add3A_81 = arith.addi %add3A_4, %add3A_80 : i32
    %add3A_82 = arith.constant 3 : i32
    %add3A_83 = arith.addi %add3A_81, %add3A_82 : i32
    %mul3A_84 = arith.constant 256 : i32
    %mul3A_85 = arith.muli %add3A_83, %mul3A_84 : i32
    %multiple_of3A_86 = tpu.assume_multiple %mul3A_85, 256 : i32
    %dma_start3A_87 = arith.constant 0 : i32
    %dma_start3A_88 = tpu.memref_slice %arg4[%dma_start3A_87, %multiple_of3A_86] : memref<64x1000000xf32, #tpu.memory_space<hbm>> -> memref<64x256xf32, #tpu.memory_space<hbm>>
    %dma_start3A_89 = arith.constant 0 : i32
    %dma_start3A_90 = tpu.memref_slice %arg4[%dma_start3A_89, %multiple_of3A_86] : memref<64x1000000xf32, #tpu.memory_space<hbm>> -> memref<64x256xf32, #tpu.memory_space<hbm>>
    tpu.enqueue_dma source(%dma_start3A_90 : memref<64x256xf32, #tpu.memory_space<hbm>>) target(%arg14 : memref<64x256xf32, #tpu.memory_space<vmem>>) target_semaphore(%arg19 : memref<!tpu.dma_semaphore, #tpu.memory_space<semaphore_mem>>)
    %scan3A_91 = arith.constant 0 : i32
    %scan3A_92 = arith.constant 0 : i32
    %scan3A_93 = arith.constant 0 : i32
    %scan3A_94 = arith.constant 16 : i32
    %scan3A_95 = arith.addi %scan3A_93, %scan3A_94 : i32
    %scan3A_96 = arith.constant 1 : i32
    %scan3A_97:2 = scf.for %scan3A_176 = %scan3A_93 to %scan3A_95 step %scan3A_96 iter_args(%scan3A_177 = %scan3A_91, %scan3A_178 = %scan3A_92) -> (i32, i32)  : i32 {
      %mul3A_179 = arith.constant 4 : i32
      %mul3A_180 = arith.muli %mul3A_179, %scan3A_176 : i32
      %add3A_181 = arith.constant 0 : i32
      %add3A_182 = arith.addi %add3A_181, %mul3A_180 : i32
      %add3A_183 = arith.constant 0 : i32
      %add3A_184 = arith.addi %add3A_182, %add3A_183 : i32
      %lt3A_185 = arith.cmpi slt, %add3A_184, %min3A_41 : i32
      %convert_element_type3A = arith.extui %lt3A_185 : i1 to i32
      %cond3A = arith.constant 0 : i32
      %cond3A_186 = arith.cmpi ne, %convert_element_type3A, %cond3A : i32
      scf.if %cond3A_186 {
        %dma_wait3A_305 = arith.constant 0 : i32
        %dma_wait3A_306 = arith.constant 0 : i32
        %dma_wait3A_307 = tpu.memref_slice %arg4[%dma_wait3A_305, %dma_wait3A_306] : memref<64x1000000xf32, #tpu.memory_space<hbm>> -> memref<64x256xf32, #tpu.memory_space<hbm>>
        %dma_wait3A_308 = arith.constant 0 : i32
        %dma_wait3A_309 = arith.constant 0 : i32
        %dma_wait3A_310 = tpu.memref_slice %arg4[%dma_wait3A_308, %dma_wait3A_309] : memref<64x1000000xf32, #tpu.memory_space<hbm>> -> memref<64x256xf32, #tpu.memory_space<hbm>>
        tpu.wait_dma2 semaphore(%arg16 : memref<!tpu.dma_semaphore, #tpu.memory_space<semaphore_mem>>) src(%dma_wait3A_310 : memref<64x256xf32, #tpu.memory_space<hbm>>) dst(%arg11 : memref<64x256xf32, #tpu.memory_space<vmem>>)
      } else {
      }
      %lt3A_187 = arith.cmpi slt, %add3A_184, %min3A_41 : i32
      %add3A_188 = arith.addi %add3A_4, %add3A_184 : i32
      %mul3A_189 = arith.constant 256 : i32
      %mul3A_190 = arith.muli %add3A_188, %mul3A_189 : i32
      %jit3A_191 = arith.constant 0 : i32
      %select_n3A_192 = arith.select %lt3A_187, %mul3A_190, %jit3A_191 : i32
      %jit3A_193 = arith.constant 256 : i32
      %jit3A_194 = arith.constant 0 : i32
      %select_n3A_195 = arith.select %lt3A_187, %jit3A_193, %jit3A_194 : i32
      %scan3A_196 = arith.constant true
      %scan3A_197 = arith.constant 0 : i32
      %scan3A_198 = arith.constant 8 : i32
      %scan3A_199 = arith.addi %scan3A_197, %scan3A_198 : i32
      %scan3A_200 = arith.constant 1 : i32
      %scan3A_201:3 = scf.for %scan3A_305 = %scan3A_197 to %scan3A_199 step %scan3A_200 iter_args(%scan3A_306 = %scan3A_177, %scan3A_307 = %scan3A_178, %scan3A_308 = %scan3A_196) -> (i32, i32, i1)  : i32 {
        %mul3A_309 = arith.constant 16 : i32
        %mul3A_310 = arith.muli %scan3A_306, %mul3A_309 : i32
        %multiple_of3A_311 = tpu.assume_multiple %mul3A_310, 16 : i32
        %get3A = arith.index_cast %multiple_of3A_311 : i32 to index
        %get3A_312 = tpu.vector_load %arg8[%get3A] {strides = array<i32>} : memref<712xi32, #tpu.memory_space<vmem>>, vector<16xi32>,
        %get3A_313 = arith.index_cast %multiple_of3A_311 : i32 to index
        %get3A_314 = tpu.vector_load %arg9[%get3A_313] {strides = array<i32>} : memref<712xi32, #tpu.memory_space<vmem>>, vector<16xi32>,
        %add3A_315 = arith.addi %select_n3A_192, %select_n3A_195 : i32
        %lt3A_316 = vector.broadcast %add3A_315 : i32 to vector<16xi32>
        %lt3A_317 = arith.cmpi slt, %get3A_312, %lt3A_316 : vector<16xi32>
        %ge3A = vector.broadcast %select_n3A_192 : i32 to vector<16xi32>
        %ge3A_318 = arith.cmpi sge, %get3A_312, %ge3A : vector<16xi32>
        %and3A_319 = arith.andi %ge3A_318, %lt3A_317 : vector<16xi1>
        %and3A_320 = vector.broadcast %scan3A_308 : i1 to vector<16xi1>
        %and3A_321 = arith.andi %and3A_319, %and3A_320 : vector<16xi1>
        %convert_element_type3A_322 = arith.extui %and3A_321 : vector<16xi1> to vector<16xi32>
        %reduce_sum3A = arith.constant true
        %reduce_sum3A_323 = vector.broadcast %reduce_sum3A : i1 to vector<16xi1>
        %reduce_sum3A_324 = tpu.scan <sum>, %convert_element_type3A_322 masked %reduce_sum3A_323 : vector<16xi32>, vector<16xi1> -> vector<16xi32>
        %reduce_sum3A_325 = vector.extract %reduce_sum3A_324[15] : i32 from vector<16xi32>
        %broadcast_in_dim3A_326 = arith.constant true
        %broadcast_in_dim3A_327 = vector.broadcast %broadcast_in_dim3A_326 : i1 to vector<16xi1>
        %masked_cumsum3A = tpu.scan <sum>, %convert_element_type3A_322 masked %broadcast_in_dim3A_327 : vector<16xi32>, vector<16xi1> -> vector<16xi32>
        %sub3A_328 = arith.constant 1 : i32
        %sub3A_329 = vector.broadcast %sub3A_328 : i32 to vector<16xi32>
        %sub3A_330 = arith.subi %masked_cumsum3A, %sub3A_329 : vector<16xi32>
        %add3A_331 = vector.broadcast %scan3A_307 : i32 to vector<16xi32>
        %add3A_332 = arith.addi %add3A_331, %sub3A_330 : vector<16xi32>
        %min3A_333 = arith.constant 351 : i32
        %min3A_334 = vector.broadcast %min3A_333 : i32 to vector<16xi32>
        %min3A_335 = arith.minsi %add3A_332, %min3A_334 : vector<16xi32>
        %sub3A_336 = vector.broadcast %select_n3A_192 : i32 to vector<16xi32>
        %sub3A_337 = arith.subi %get3A_312, %sub3A_336 : vector<16xi32>
        %gt3A = arith.constant 0 : i32
        %gt3A_338 = arith.cmpi sgt, %reduce_sum3A_325, %gt3A : i32
        %convert_element_type3A_339 = arith.extui %gt3A_338 : i1 to i32
        %cond3A_340 = arith.constant 0 : i32
        %cond3A_341 = arith.cmpi ne, %convert_element_type3A_339, %cond3A_340 : i32
        scf.if %cond3A_341 {
          tpu.vector_store_idx %arg10[%min3A_335], %get3A_314 masked %and3A_321 : memref<352xi32, #tpu.memory_space<vmem>>[vector<16xi32>], vector<16xi32>, vector<16xi1>
          %scan3A_355 = arith.constant 0 : i32
          %scan3A_356 = arith.constant 0 : i32
          %scan3A_357 = arith.constant 64 : i32
          %scan3A_358 = arith.addi %scan3A_356, %scan3A_357 : i32
          %scan3A_359 = arith.constant 1 : i32
          scf.for %scan3A_361 = %scan3A_356 to %scan3A_358 step %scan3A_359  : i32 {
            %add3A_362 = vector.broadcast %scan3A_361 : i32 to vector<16xi32>
            %add3A_363 = arith.addi %broadcast_in_dim3A_11, %add3A_362 : vector<16xi32>
            %gather3A = tpu.vector_load_idx %arg11[%add3A_363, %sub3A_337] masked %and3A_321 : memref<64x256xf32, #tpu.memory_space<vmem>>[vector<16xi32>, vector<16xi32>], vector<16xf32>, vector<16xi1>
            %add3A_364 = vector.broadcast %scan3A_361 : i32 to vector<16xi32>
            %add3A_365 = arith.addi %broadcast_in_dim3A_11, %add3A_364 : vector<16xi32>
            tpu.vector_store_idx %arg15[%min3A_335, %add3A_365], %gather3A masked %and3A_321 : memref<352x128xf32, #tpu.memory_space<vmem>>[vector<16xi32>, vector<16xi32>], vector<16xf32>, vector<16xi1>
          }
          %scan3A_360 = arith.constant 64 : i32
        } else {
        }
        %convert_element_type3A_342 = arith.extui %lt3A_317 : vector<16xi1> to vector<16xi32>
        %reduce_sum3A_343 = arith.constant true
        %reduce_sum3A_344 = vector.broadcast %reduce_sum3A_343 : i1 to vector<16xi1>
        %reduce_sum3A_345 = tpu.scan <sum>, %convert_element_type3A_342 masked %reduce_sum3A_344 : vector<16xi32>, vector<16xi1> -> vector<16xi32>
        %reduce_sum3A_346 = vector.extract %reduce_sum3A_345[15] : i32 from vector<16xi32>
        %eq3A = arith.constant 16 : i32
        %eq3A_347 = arith.cmpi eq, %reduce_sum3A_346, %eq3A : i32
        %and3A_348 = arith.andi %scan3A_308, %eq3A_347 : i1
        %add3A_349 = arith.constant 1 : i32
        %add3A_350 = arith.addi %scan3A_306, %add3A_349 : i32
        %min3A_351 = arith.constant 42 : i32
        %min3A_352 = arith.minsi %add3A_350, %min3A_351 : i32
        %select_n3A_353 = arith.select %and3A_348, %min3A_352, %scan3A_306 : i32
        %add3A_354 = arith.addi %scan3A_307, %reduce_sum3A_325 : i32
        scf.yield %select_n3A_353, %add3A_354, %and3A_348 : i32, i32, i1
      }
      %scan3A_202 = arith.constant 8 : i32
      %add3A_203 = arith.constant 4 : i32
      %add3A_204 = arith.addi %add3A_184, %add3A_203 : i32
      %lt3A_205 = arith.cmpi slt, %add3A_204, %min3A_41 : i32
      %convert_element_type3A_206 = arith.extui %lt3A_205 : i1 to i32
      %cond3A_207 = arith.constant 0 : i32
      %cond3A_208 = arith.cmpi ne, %convert_element_type3A_206, %cond3A_207 : i32
      scf.if %cond3A_208 {
        %add3A_305 = arith.addi %add3A_4, %add3A_184 : i32
        %add3A_306 = arith.constant 4 : i32
        %add3A_307 = arith.addi %add3A_305, %add3A_306 : i32
        %mul3A_308 = arith.constant 256 : i32
        %mul3A_309 = arith.muli %add3A_307, %mul3A_308 : i32
        %multiple_of3A_310 = tpu.assume_multiple %mul3A_309, 256 : i32
        %dma_start3A_311 = arith.constant 0 : i32
        %dma_start3A_312 = tpu.memref_slice %arg4[%dma_start3A_311, %multiple_of3A_310] : memref<64x1000000xf32, #tpu.memory_space<hbm>> -> memref<64x256xf32, #tpu.memory_space<hbm>>
        %dma_start3A_313 = arith.constant 0 : i32
        %dma_start3A_314 = tpu.memref_slice %arg4[%dma_start3A_313, %multiple_of3A_310] : memref<64x1000000xf32, #tpu.memory_space<hbm>> -> memref<64x256xf32, #tpu.memory_space<hbm>>
        tpu.enqueue_dma source(%dma_start3A_314 : memref<64x256xf32, #tpu.memory_space<hbm>>) target(%arg11 : memref<64x256xf32, #tpu.memory_space<vmem>>) target_semaphore(%arg16 : memref<!tpu.dma_semaphore, #tpu.memory_space<semaphore_mem>>)
      } else {
      }
      %mul3A_209 = arith.constant 4 : i32
      %mul3A_210 = arith.muli %mul3A_209, %scan3A_176 : i32
      %add3A_211 = arith.constant 0 : i32
      %add3A_212 = arith.addi %add3A_211, %mul3A_210 : i32
      %add3A_213 = arith.constant 1 : i32
      %add3A_214 = arith.addi %add3A_212, %add3A_213 : i32
      %lt3A_215 = arith.cmpi slt, %add3A_214, %min3A_41 : i32
      %convert_element_type3A_216 = arith.extui %lt3A_215 : i1 to i32
      %cond3A_217 = arith.constant 0 : i32
      %cond3A_218 = arith.cmpi ne, %convert_element_type3A_216, %cond3A_217 : i32
      scf.if %cond3A_218 {
        %dma_wait3A_305 = arith.constant 0 : i32
        %dma_wait3A_306 = arith.constant 0 : i32
        %dma_wait3A_307 = tpu.memref_slice %arg4[%dma_wait3A_305, %dma_wait3A_306] : memref<64x1000000xf32, #tpu.memory_space<hbm>> -> memref<64x256xf32, #tpu.memory_space<hbm>>
        %dma_wait3A_308 = arith.constant 0 : i32
        %dma_wait3A_309 = arith.constant 0 : i32
        %dma_wait3A_310 = tpu.memref_slice %arg4[%dma_wait3A_308, %dma_wait3A_309] : memref<64x1000000xf32, #tpu.memory_space<hbm>> -> memref<64x256xf32, #tpu.memory_space<hbm>>
        tpu.wait_dma2 semaphore(%arg17 : memref<!tpu.dma_semaphore, #tpu.memory_space<semaphore_mem>>) src(%dma_wait3A_310 : memref<64x256xf32, #tpu.memory_space<hbm>>) dst(%arg12 : memref<64x256xf32, #tpu.memory_space<vmem>>)
      } else {
      }
      %lt3A_219 = arith.cmpi slt, %add3A_214, %min3A_41 : i32
      %add3A_220 = arith.addi %add3A_4, %add3A_214 : i32
      %mul3A_221 = arith.constant 256 : i32
      %mul3A_222 = arith.muli %add3A_220, %mul3A_221 : i32
      %jit3A_223 = arith.constant 0 : i32
      %select_n3A_224 = arith.select %lt3A_219, %mul3A_222, %jit3A_223 : i32
      %jit3A_225 = arith.constant 256 : i32
      %jit3A_226 = arith.constant 0 : i32
      %select_n3A_227 = arith.select %lt3A_219, %jit3A_225, %jit3A_226 : i32
      %scan3A_228 = arith.constant true
      %scan3A_229 = arith.constant 0 : i32
      %scan3A_230 = arith.constant 8 : i32
      %scan3A_231 = arith.addi %scan3A_229, %scan3A_230 : i32
      %scan3A_232 = arith.constant 1 : i32
      %scan3A_233:3 = scf.for %scan3A_305 = %scan3A_229 to %scan3A_231 step %scan3A_232 iter_args(%scan3A_306 = %scan3A_201#0, %scan3A_307 = %scan3A_201#1, %scan3A_308 = %scan3A_228) -> (i32, i32, i1)  : i32 {
        %mul3A_309 = arith.constant 16 : i32
        %mul3A_310 = arith.muli %scan3A_306, %mul3A_309 : i32
        %multiple_of3A_311 = tpu.assume_multiple %mul3A_310, 16 : i32
        %get3A = arith.index_cast %multiple_of3A_311 : i32 to index
        %get3A_312 = tpu.vector_load %arg8[%get3A] {strides = array<i32>} : memref<712xi32, #tpu.memory_space<vmem>>, vector<16xi32>,
        %get3A_313 = arith.index_cast %multiple_of3A_311 : i32 to index
        %get3A_314 = tpu.vector_load %arg9[%get3A_313] {strides = array<i32>} : memref<712xi32, #tpu.memory_space<vmem>>, vector<16xi32>,
        %add3A_315 = arith.addi %select_n3A_224, %select_n3A_227 : i32
        %lt3A_316 = vector.broadcast %add3A_315 : i32 to vector<16xi32>
        %lt3A_317 = arith.cmpi slt, %get3A_312, %lt3A_316 : vector<16xi32>
        %ge3A = vector.broadcast %select_n3A_224 : i32 to vector<16xi32>
        %ge3A_318 = arith.cmpi sge, %get3A_312, %ge3A : vector<16xi32>
        %and3A_319 = arith.andi %ge3A_318, %lt3A_317 : vector<16xi1>
        %and3A_320 = vector.broadcast %scan3A_308 : i1 to vector<16xi1>
        %and3A_321 = arith.andi %and3A_319, %and3A_320 : vector<16xi1>
        %convert_element_type3A_322 = arith.extui %and3A_321 : vector<16xi1> to vector<16xi32>
        %reduce_sum3A = arith.constant true
        %reduce_sum3A_323 = vector.broadcast %reduce_sum3A : i1 to vector<16xi1>
        %reduce_sum3A_324 = tpu.scan <sum>, %convert_element_type3A_322 masked %reduce_sum3A_323 : vector<16xi32>, vector<16xi1> -> vector<16xi32>
        %reduce_sum3A_325 = vector.extract %reduce_sum3A_324[15] : i32 from vector<16xi32>
        %broadcast_in_dim3A_326 = arith.constant true
        %broadcast_in_dim3A_327 = vector.broadcast %broadcast_in_dim3A_326 : i1 to vector<16xi1>
        %masked_cumsum3A = tpu.scan <sum>, %convert_element_type3A_322 masked %broadcast_in_dim3A_327 : vector<16xi32>, vector<16xi1> -> vector<16xi32>
        %sub3A_328 = arith.constant 1 : i32
        %sub3A_329 = vector.broadcast %sub3A_328 : i32 to vector<16xi32>
        %sub3A_330 = arith.subi %masked_cumsum3A, %sub3A_329 : vector<16xi32>
        %add3A_331 = vector.broadcast %scan3A_307 : i32 to vector<16xi32>
        %add3A_332 = arith.addi %add3A_331, %sub3A_330 : vector<16xi32>
        %min3A_333 = arith.constant 351 : i32
        %min3A_334 = vector.broadcast %min3A_333 : i32 to vector<16xi32>
        %min3A_335 = arith.minsi %add3A_332, %min3A_334 : vector<16xi32>
        %sub3A_336 = vector.broadcast %select_n3A_224 : i32 to vector<16xi32>
        %sub3A_337 = arith.subi %get3A_312, %sub3A_336 : vector<16xi32>
        %gt3A = arith.constant 0 : i32
        %gt3A_338 = arith.cmpi sgt, %reduce_sum3A_325, %gt3A : i32
        %convert_element_type3A_339 = arith.extui %gt3A_338 : i1 to i32
        %cond3A_340 = arith.constant 0 : i32
        %cond3A_341 = arith.cmpi ne, %convert_element_type3A_339, %cond3A_340 : i32
        scf.if %cond3A_341 {
          tpu.vector_store_idx %arg10[%min3A_335], %get3A_314 masked %and3A_321 : memref<352xi32, #tpu.memory_space<vmem>>[vector<16xi32>], vector<16xi32>, vector<16xi1>
          %scan3A_355 = arith.constant 0 : i32
          %scan3A_356 = arith.constant 0 : i32
          %scan3A_357 = arith.constant 64 : i32
          %scan3A_358 = arith.addi %scan3A_356, %scan3A_357 : i32
          %scan3A_359 = arith.constant 1 : i32
          scf.for %scan3A_361 = %scan3A_356 to %scan3A_358 step %scan3A_359  : i32 {
            %add3A_362 = vector.broadcast %scan3A_361 : i32 to vector<16xi32>
            %add3A_363 = arith.addi %broadcast_in_dim3A_11, %add3A_362 : vector<16xi32>
            %gather3A = tpu.vector_load_idx %arg12[%add3A_363, %sub3A_337] masked %and3A_321 : memref<64x256xf32, #tpu.memory_space<vmem>>[vector<16xi32>, vector<16xi32>], vector<16xf32>, vector<16xi1>
            %add3A_364 = vector.broadcast %scan3A_361 : i32 to vector<16xi32>
            %add3A_365 = arith.addi %broadcast_in_dim3A_11, %add3A_364 : vector<16xi32>
            tpu.vector_store_idx %arg15[%min3A_335, %add3A_365], %gather3A masked %and3A_321 : memref<352x128xf32, #tpu.memory_space<vmem>>[vector<16xi32>, vector<16xi32>], vector<16xf32>, vector<16xi1>
          }
          %scan3A_360 = arith.constant 64 : i32
        } else {
        }
        %convert_element_type3A_342 = arith.extui %lt3A_317 : vector<16xi1> to vector<16xi32>
        %reduce_sum3A_343 = arith.constant true
        %reduce_sum3A_344 = vector.broadcast %reduce_sum3A_343 : i1 to vector<16xi1>
        %reduce_sum3A_345 = tpu.scan <sum>, %convert_element_type3A_342 masked %reduce_sum3A_344 : vector<16xi32>, vector<16xi1> -> vector<16xi32>
        %reduce_sum3A_346 = vector.extract %reduce_sum3A_345[15] : i32 from vector<16xi32>
        %eq3A = arith.constant 16 : i32
        %eq3A_347 = arith.cmpi eq, %reduce_sum3A_346, %eq3A : i32
        %and3A_348 = arith.andi %scan3A_308, %eq3A_347 : i1
        %add3A_349 = arith.constant 1 : i32
        %add3A_350 = arith.addi %scan3A_306, %add3A_349 : i32
        %min3A_351 = arith.constant 42 : i32
        %min3A_352 = arith.minsi %add3A_350, %min3A_351 : i32
        %select_n3A_353 = arith.select %and3A_348, %min3A_352, %scan3A_306 : i32
        %add3A_354 = arith.addi %scan3A_307, %reduce_sum3A_325 : i32
        scf.yield %select_n3A_353, %add3A_354, %and3A_348 : i32, i32, i1
      }
      %scan3A_234 = arith.constant 8 : i32
      %add3A_235 = arith.constant 4 : i32
      %add3A_236 = arith.addi %add3A_214, %add3A_235 : i32
      %lt3A_237 = arith.cmpi slt, %add3A_236, %min3A_41 : i32
      %convert_element_type3A_238 = arith.extui %lt3A_237 : i1 to i32
      %cond3A_239 = arith.constant 0 : i32
      %cond3A_240 = arith.cmpi ne, %convert_element_type3A_238, %cond3A_239 : i32
      scf.if %cond3A_240 {
        %add3A_305 = arith.addi %add3A_4, %add3A_214 : i32
        %add3A_306 = arith.constant 4 : i32
        %add3A_307 = arith.addi %add3A_305, %add3A_306 : i32
        %mul3A_308 = arith.constant 256 : i32
        %mul3A_309 = arith.muli %add3A_307, %mul3A_308 : i32
        %multiple_of3A_310 = tpu.assume_multiple %mul3A_309, 256 : i32
        %dma_start3A_311 = arith.constant 0 : i32
        %dma_start3A_312 = tpu.memref_slice %arg4[%dma_start3A_311, %multiple_of3A_310] : memref<64x1000000xf32, #tpu.memory_space<hbm>> -> memref<64x256xf32, #tpu.memory_space<hbm>>
        %dma_start3A_313 = arith.constant 0 : i32
        %dma_start3A_314 = tpu.memref_slice %arg4[%dma_start3A_313, %multiple_of3A_310] : memref<64x1000000xf32, #tpu.memory_space<hbm>> -> memref<64x256xf32, #tpu.memory_space<hbm>>
        tpu.enqueue_dma source(%dma_start3A_314 : memref<64x256xf32, #tpu.memory_space<hbm>>) target(%arg12 : memref<64x256xf32, #tpu.memory_space<vmem>>) target_semaphore(%arg17 : memref<!tpu.dma_semaphore, #tpu.memory_space<semaphore_mem>>)
      } else {
      }
      %mul3A_241 = arith.constant 4 : i32
      %mul3A_242 = arith.muli %mul3A_241, %scan3A_176 : i32
      %add3A_243 = arith.constant 0 : i32
      %add3A_244 = arith.addi %add3A_243, %mul3A_242 : i32
      %add3A_245 = arith.constant 2 : i32
      %add3A_246 = arith.addi %add3A_244, %add3A_245 : i32
      %lt3A_247 = arith.cmpi slt, %add3A_246, %min3A_41 : i32
      %convert_element_type3A_248 = arith.extui %lt3A_247 : i1 to i32
      %cond3A_249 = arith.constant 0 : i32
      %cond3A_250 = arith.cmpi ne, %convert_element_type3A_248, %cond3A_249 : i32
      scf.if %cond3A_250 {
        %dma_wait3A_305 = arith.constant 0 : i32
        %dma_wait3A_306 = arith.constant 0 : i32
        %dma_wait3A_307 = tpu.memref_slice %arg4[%dma_wait3A_305, %dma_wait3A_306] : memref<64x1000000xf32, #tpu.memory_space<hbm>> -> memref<64x256xf32, #tpu.memory_space<hbm>>
        %dma_wait3A_308 = arith.constant 0 : i32
        %dma_wait3A_309 = arith.constant 0 : i32
        %dma_wait3A_310 = tpu.memref_slice %arg4[%dma_wait3A_308, %dma_wait3A_309] : memref<64x1000000xf32, #tpu.memory_space<hbm>> -> memref<64x256xf32, #tpu.memory_space<hbm>>
        tpu.wait_dma2 semaphore(%arg18 : memref<!tpu.dma_semaphore, #tpu.memory_space<semaphore_mem>>) src(%dma_wait3A_310 : memref<64x256xf32, #tpu.memory_space<hbm>>) dst(%arg13 : memref<64x256xf32, #tpu.memory_space<vmem>>)
      } else {
      }
      %lt3A_251 = arith.cmpi slt, %add3A_246, %min3A_41 : i32
      %add3A_252 = arith.addi %add3A_4, %add3A_246 : i32
      %mul3A_253 = arith.constant 256 : i32
      %mul3A_254 = arith.muli %add3A_252, %mul3A_253 : i32
      %jit3A_255 = arith.constant 0 : i32
      %select_n3A_256 = arith.select %lt3A_251, %mul3A_254, %jit3A_255 : i32
      %jit3A_257 = arith.constant 256 : i32
      %jit3A_258 = arith.constant 0 : i32
      %select_n3A_259 = arith.select %lt3A_251, %jit3A_257, %jit3A_258 : i32
      %scan3A_260 = arith.constant true
      %scan3A_261 = arith.constant 0 : i32
      %scan3A_262 = arith.constant 8 : i32
      %scan3A_263 = arith.addi %scan3A_261, %scan3A_262 : i32
      %scan3A_264 = arith.constant 1 : i32
      %scan3A_265:3 = scf.for %scan3A_305 = %scan3A_261 to %scan3A_263 step %scan3A_264 iter_args(%scan3A_306 = %scan3A_233#0, %scan3A_307 = %scan3A_233#1, %scan3A_308 = %scan3A_260) -> (i32, i32, i1)  : i32 {
        %mul3A_309 = arith.constant 16 : i32
        %mul3A_310 = arith.muli %scan3A_306, %mul3A_309 : i32
        %multiple_of3A_311 = tpu.assume_multiple %mul3A_310, 16 : i32
        %get3A = arith.index_cast %multiple_of3A_311 : i32 to index
        %get3A_312 = tpu.vector_load %arg8[%get3A] {strides = array<i32>} : memref<712xi32, #tpu.memory_space<vmem>>, vector<16xi32>,
        %get3A_313 = arith.index_cast %multiple_of3A_311 : i32 to index
        %get3A_314 = tpu.vector_load %arg9[%get3A_313] {strides = array<i32>} : memref<712xi32, #tpu.memory_space<vmem>>, vector<16xi32>,
        %add3A_315 = arith.addi %select_n3A_256, %select_n3A_259 : i32
        %lt3A_316 = vector.broadcast %add3A_315 : i32 to vector<16xi32>
        %lt3A_317 = arith.cmpi slt, %get3A_312, %lt3A_316 : vector<16xi32>
        %ge3A = vector.broadcast %select_n3A_256 : i32 to vector<16xi32>
        %ge3A_318 = arith.cmpi sge, %get3A_312, %ge3A : vector<16xi32>
        %and3A_319 = arith.andi %ge3A_318, %lt3A_317 : vector<16xi1>
        %and3A_320 = vector.broadcast %scan3A_308 : i1 to vector<16xi1>
        %and3A_321 = arith.andi %and3A_319, %and3A_320 : vector<16xi1>
        %convert_element_type3A_322 = arith.extui %and3A_321 : vector<16xi1> to vector<16xi32>
        %reduce_sum3A = arith.constant true
        %reduce_sum3A_323 = vector.broadcast %reduce_sum3A : i1 to vector<16xi1>
        %reduce_sum3A_324 = tpu.scan <sum>, %convert_element_type3A_322 masked %reduce_sum3A_323 : vector<16xi32>, vector<16xi1> -> vector<16xi32>
        %reduce_sum3A_325 = vector.extract %reduce_sum3A_324[15] : i32 from vector<16xi32>
        %broadcast_in_dim3A_326 = arith.constant true
        %broadcast_in_dim3A_327 = vector.broadcast %broadcast_in_dim3A_326 : i1 to vector<16xi1>
        %masked_cumsum3A = tpu.scan <sum>, %convert_element_type3A_322 masked %broadcast_in_dim3A_327 : vector<16xi32>, vector<16xi1> -> vector<16xi32>
        %sub3A_328 = arith.constant 1 : i32
        %sub3A_329 = vector.broadcast %sub3A_328 : i32 to vector<16xi32>
        %sub3A_330 = arith.subi %masked_cumsum3A, %sub3A_329 : vector<16xi32>
        %add3A_331 = vector.broadcast %scan3A_307 : i32 to vector<16xi32>
        %add3A_332 = arith.addi %add3A_331, %sub3A_330 : vector<16xi32>
        %min3A_333 = arith.constant 351 : i32
        %min3A_334 = vector.broadcast %min3A_333 : i32 to vector<16xi32>
        %min3A_335 = arith.minsi %add3A_332, %min3A_334 : vector<16xi32>
        %sub3A_336 = vector.broadcast %select_n3A_256 : i32 to vector<16xi32>
        %sub3A_337 = arith.subi %get3A_312, %sub3A_336 : vector<16xi32>
        %gt3A = arith.constant 0 : i32
        %gt3A_338 = arith.cmpi sgt, %reduce_sum3A_325, %gt3A : i32
        %convert_element_type3A_339 = arith.extui %gt3A_338 : i1 to i32
        %cond3A_340 = arith.constant 0 : i32
        %cond3A_341 = arith.cmpi ne, %convert_element_type3A_339, %cond3A_340 : i32
        scf.if %cond3A_341 {
          tpu.vector_store_idx %arg10[%min3A_335], %get3A_314 masked %and3A_321 : memref<352xi32, #tpu.memory_space<vmem>>[vector<16xi32>], vector<16xi32>, vector<16xi1>
          %scan3A_355 = arith.constant 0 : i32
          %scan3A_356 = arith.constant 0 : i32
          %scan3A_357 = arith.constant 64 : i32
          %scan3A_358 = arith.addi %scan3A_356, %scan3A_357 : i32
          %scan3A_359 = arith.constant 1 : i32
          scf.for %scan3A_361 = %scan3A_356 to %scan3A_358 step %scan3A_359  : i32 {
            %add3A_362 = vector.broadcast %scan3A_361 : i32 to vector<16xi32>
            %add3A_363 = arith.addi %broadcast_in_dim3A_11, %add3A_362 : vector<16xi32>
            %gather3A = tpu.vector_load_idx %arg13[%add3A_363, %sub3A_337] masked %and3A_321 : memref<64x256xf32, #tpu.memory_space<vmem>>[vector<16xi32>, vector<16xi32>], vector<16xf32>, vector<16xi1>
            %add3A_364 = vector.broadcast %scan3A_361 : i32 to vector<16xi32>
            %add3A_365 = arith.addi %broadcast_in_dim3A_11, %add3A_364 : vector<16xi32>
            tpu.vector_store_idx %arg15[%min3A_335, %add3A_365], %gather3A masked %and3A_321 : memref<352x128xf32, #tpu.memory_space<vmem>>[vector<16xi32>, vector<16xi32>], vector<16xf32>, vector<16xi1>
          }
          %scan3A_360 = arith.constant 64 : i32
        } else {
        }
        %convert_element_type3A_342 = arith.extui %lt3A_317 : vector<16xi1> to vector<16xi32>
        %reduce_sum3A_343 = arith.constant true
        %reduce_sum3A_344 = vector.broadcast %reduce_sum3A_343 : i1 to vector<16xi1>
        %reduce_sum3A_345 = tpu.scan <sum>, %convert_element_type3A_342 masked %reduce_sum3A_344 : vector<16xi32>, vector<16xi1> -> vector<16xi32>
        %reduce_sum3A_346 = vector.extract %reduce_sum3A_345[15] : i32 from vector<16xi32>
        %eq3A = arith.constant 16 : i32
        %eq3A_347 = arith.cmpi eq, %reduce_sum3A_346, %eq3A : i32
        %and3A_348 = arith.andi %scan3A_308, %eq3A_347 : i1
        %add3A_349 = arith.constant 1 : i32
        %add3A_350 = arith.addi %scan3A_306, %add3A_349 : i32
        %min3A_351 = arith.constant 42 : i32
        %min3A_352 = arith.minsi %add3A_350, %min3A_351 : i32
        %select_n3A_353 = arith.select %and3A_348, %min3A_352, %scan3A_306 : i32
        %add3A_354 = arith.addi %scan3A_307, %reduce_sum3A_325 : i32
        scf.yield %select_n3A_353, %add3A_354, %and3A_348 : i32, i32, i1
      }
      %scan3A_266 = arith.constant 8 : i32
      %add3A_267 = arith.constant 4 : i32
      %add3A_268 = arith.addi %add3A_246, %add3A_267 : i32
      %lt3A_269 = arith.cmpi slt, %add3A_268, %min3A_41 : i32
      %convert_element_type3A_270 = arith.extui %lt3A_269 : i1 to i32
      %cond3A_271 = arith.constant 0 : i32
      %cond3A_272 = arith.cmpi ne, %convert_element_type3A_270, %cond3A_271 : i32
      scf.if %cond3A_272 {
        %add3A_305 = arith.addi %add3A_4, %add3A_246 : i32
        %add3A_306 = arith.constant 4 : i32
        %add3A_307 = arith.addi %add3A_305, %add3A_306 : i32
        %mul3A_308 = arith.constant 256 : i32
        %mul3A_309 = arith.muli %add3A_307, %mul3A_308 : i32
        %multiple_of3A_310 = tpu.assume_multiple %mul3A_309, 256 : i32
        %dma_start3A_311 = arith.constant 0 : i32
        %dma_start3A_312 = tpu.memref_slice %arg4[%dma_start3A_311, %multiple_of3A_310] : memref<64x1000000xf32, #tpu.memory_space<hbm>> -> memref<64x256xf32, #tpu.memory_space<hbm>>
        %dma_start3A_313 = arith.constant 0 : i32
        %dma_start3A_314 = tpu.memref_slice %arg4[%dma_start3A_313, %multiple_of3A_310] : memref<64x1000000xf32, #tpu.memory_space<hbm>> -> memref<64x256xf32, #tpu.memory_space<hbm>>
        tpu.enqueue_dma source(%dma_start3A_314 : memref<64x256xf32, #tpu.memory_space<hbm>>) target(%arg13 : memref<64x256xf32, #tpu.memory_space<vmem>>) target_semaphore(%arg18 : memref<!tpu.dma_semaphore, #tpu.memory_space<semaphore_mem>>)
      } else {
      }
      %mul3A_273 = arith.constant 4 : i32
      %mul3A_274 = arith.muli %mul3A_273, %scan3A_176 : i32
      %add3A_275 = arith.constant 0 : i32
      %add3A_276 = arith.addi %add3A_275, %mul3A_274 : i32
      %add3A_277 = arith.constant 3 : i32
      %add3A_278 = arith.addi %add3A_276, %add3A_277 : i32
      %lt3A_279 = arith.cmpi slt, %add3A_278, %min3A_41 : i32
      %convert_element_type3A_280 = arith.extui %lt3A_279 : i1 to i32
      %cond3A_281 = arith.constant 0 : i32
      %cond3A_282 = arith.cmpi ne, %convert_element_type3A_280, %cond3A_281 : i32
      scf.if %cond3A_282 {
        %dma_wait3A_305 = arith.constant 0 : i32
        %dma_wait3A_306 = arith.constant 0 : i32
        %dma_wait3A_307 = tpu.memref_slice %arg4[%dma_wait3A_305, %dma_wait3A_306] : memref<64x1000000xf32, #tpu.memory_space<hbm>> -> memref<64x256xf32, #tpu.memory_space<hbm>>
        %dma_wait3A_308 = arith.constant 0 : i32
        %dma_wait3A_309 = arith.constant 0 : i32
        %dma_wait3A_310 = tpu.memref_slice %arg4[%dma_wait3A_308, %dma_wait3A_309] : memref<64x1000000xf32, #tpu.memory_space<hbm>> -> memref<64x256xf32, #tpu.memory_space<hbm>>
        tpu.wait_dma2 semaphore(%arg19 : memref<!tpu.dma_semaphore, #tpu.memory_space<semaphore_mem>>) src(%dma_wait3A_310 : memref<64x256xf32, #tpu.memory_space<hbm>>) dst(%arg14 : memref<64x256xf32, #tpu.memory_space<vmem>>)
      } else {
      }
      %lt3A_283 = arith.cmpi slt, %add3A_278, %min3A_41 : i32
      %add3A_284 = arith.addi %add3A_4, %add3A_278 : i32
      %mul3A_285 = arith.constant 256 : i32
      %mul3A_286 = arith.muli %add3A_284, %mul3A_285 : i32
      %jit3A_287 = arith.constant 0 : i32
      %select_n3A_288 = arith.select %lt3A_283, %mul3A_286, %jit3A_287 : i32
      %jit3A_289 = arith.constant 256 : i32
      %jit3A_290 = arith.constant 0 : i32
      %select_n3A_291 = arith.select %lt3A_283, %jit3A_289, %jit3A_290 : i32
      %scan3A_292 = arith.constant true
      %scan3A_293 = arith.constant 0 : i32
      %scan3A_294 = arith.constant 8 : i32
      %scan3A_295 = arith.addi %scan3A_293, %scan3A_294 : i32
      %scan3A_296 = arith.constant 1 : i32
      %scan3A_297:3 = scf.for %scan3A_305 = %scan3A_293 to %scan3A_295 step %scan3A_296 iter_args(%scan3A_306 = %scan3A_265#0, %scan3A_307 = %scan3A_265#1, %scan3A_308 = %scan3A_292) -> (i32, i32, i1)  : i32 {
        %mul3A_309 = arith.constant 16 : i32
        %mul3A_310 = arith.muli %scan3A_306, %mul3A_309 : i32
        %multiple_of3A_311 = tpu.assume_multiple %mul3A_310, 16 : i32
        %get3A = arith.index_cast %multiple_of3A_311 : i32 to index
        %get3A_312 = tpu.vector_load %arg8[%get3A] {strides = array<i32>} : memref<712xi32, #tpu.memory_space<vmem>>, vector<16xi32>,
        %get3A_313 = arith.index_cast %multiple_of3A_311 : i32 to index
        %get3A_314 = tpu.vector_load %arg9[%get3A_313] {strides = array<i32>} : memref<712xi32, #tpu.memory_space<vmem>>, vector<16xi32>,
        %add3A_315 = arith.addi %select_n3A_288, %select_n3A_291 : i32
        %lt3A_316 = vector.broadcast %add3A_315 : i32 to vector<16xi32>
        %lt3A_317 = arith.cmpi slt, %get3A_312, %lt3A_316 : vector<16xi32>
        %ge3A = vector.broadcast %select_n3A_288 : i32 to vector<16xi32>
        %ge3A_318 = arith.cmpi sge, %get3A_312, %ge3A : vector<16xi32>
        %and3A_319 = arith.andi %ge3A_318, %lt3A_317 : vector<16xi1>
        %and3A_320 = vector.broadcast %scan3A_308 : i1 to vector<16xi1>
        %and3A_321 = arith.andi %and3A_319, %and3A_320 : vector<16xi1>
        %convert_element_type3A_322 = arith.extui %and3A_321 : vector<16xi1> to vector<16xi32>
        %reduce_sum3A = arith.constant true
        %reduce_sum3A_323 = vector.broadcast %reduce_sum3A : i1 to vector<16xi1>
        %reduce_sum3A_324 = tpu.scan <sum>, %convert_element_type3A_322 masked %reduce_sum3A_323 : vector<16xi32>, vector<16xi1> -> vector<16xi32>
        %reduce_sum3A_325 = vector.extract %reduce_sum3A_324[15] : i32 from vector<16xi32>
        %broadcast_in_dim3A_326 = arith.constant true
        %broadcast_in_dim3A_327 = vector.broadcast %broadcast_in_dim3A_326 : i1 to vector<16xi1>
        %masked_cumsum3A = tpu.scan <sum>, %convert_element_type3A_322 masked %broadcast_in_dim3A_327 : vector<16xi32>, vector<16xi1> -> vector<16xi32>
        %sub3A_328 = arith.constant 1 : i32
        %sub3A_329 = vector.broadcast %sub3A_328 : i32 to vector<16xi32>
        %sub3A_330 = arith.subi %masked_cumsum3A, %sub3A_329 : vector<16xi32>
        %add3A_331 = vector.broadcast %scan3A_307 : i32 to vector<16xi32>
        %add3A_332 = arith.addi %add3A_331, %sub3A_330 : vector<16xi32>
        %min3A_333 = arith.constant 351 : i32
        %min3A_334 = vector.broadcast %min3A_333 : i32 to vector<16xi32>
        %min3A_335 = arith.minsi %add3A_332, %min3A_334 : vector<16xi32>
        %sub3A_336 = vector.broadcast %select_n3A_288 : i32 to vector<16xi32>
        %sub3A_337 = arith.subi %get3A_312, %sub3A_336 : vector<16xi32>
        %gt3A = arith.constant 0 : i32
        %gt3A_338 = arith.cmpi sgt, %reduce_sum3A_325, %gt3A : i32
        %convert_element_type3A_339 = arith.extui %gt3A_338 : i1 to i32
        %cond3A_340 = arith.constant 0 : i32
        %cond3A_341 = arith.cmpi ne, %convert_element_type3A_339, %cond3A_340 : i32
        scf.if %cond3A_341 {
          tpu.vector_store_idx %arg10[%min3A_335], %get3A_314 masked %and3A_321 : memref<352xi32, #tpu.memory_space<vmem>>[vector<16xi32>], vector<16xi32>, vector<16xi1>
          %scan3A_355 = arith.constant 0 : i32
          %scan3A_356 = arith.constant 0 : i32
          %scan3A_357 = arith.constant 64 : i32
          %scan3A_358 = arith.addi %scan3A_356, %scan3A_357 : i32
          %scan3A_359 = arith.constant 1 : i32
          scf.for %scan3A_361 = %scan3A_356 to %scan3A_358 step %scan3A_359  : i32 {
            %add3A_362 = vector.broadcast %scan3A_361 : i32 to vector<16xi32>
            %add3A_363 = arith.addi %broadcast_in_dim3A_11, %add3A_362 : vector<16xi32>
            %gather3A = tpu.vector_load_idx %arg14[%add3A_363, %sub3A_337] masked %and3A_321 : memref<64x256xf32, #tpu.memory_space<vmem>>[vector<16xi32>, vector<16xi32>], vector<16xf32>, vector<16xi1>
            %add3A_364 = vector.broadcast %scan3A_361 : i32 to vector<16xi32>
            %add3A_365 = arith.addi %broadcast_in_dim3A_11, %add3A_364 : vector<16xi32>
            tpu.vector_store_idx %arg15[%min3A_335, %add3A_365], %gather3A masked %and3A_321 : memref<352x128xf32, #tpu.memory_space<vmem>>[vector<16xi32>, vector<16xi32>], vector<16xf32>, vector<16xi1>
          }
          %scan3A_360 = arith.constant 64 : i32
        } else {
        }
        %convert_element_type3A_342 = arith.extui %lt3A_317 : vector<16xi1> to vector<16xi32>
        %reduce_sum3A_343 = arith.constant true
        %reduce_sum3A_344 = vector.broadcast %reduce_sum3A_343 : i1 to vector<16xi1>
        %reduce_sum3A_345 = tpu.scan <sum>, %convert_element_type3A_342 masked %reduce_sum3A_344 : vector<16xi32>, vector<16xi1> -> vector<16xi32>
        %reduce_sum3A_346 = vector.extract %reduce_sum3A_345[15] : i32 from vector<16xi32>
        %eq3A = arith.constant 16 : i32
        %eq3A_347 = arith.cmpi eq, %reduce_sum3A_346, %eq3A : i32
        %and3A_348 = arith.andi %scan3A_308, %eq3A_347 : i1
        %add3A_349 = arith.constant 1 : i32
        %add3A_350 = arith.addi %scan3A_306, %add3A_349 : i32
        %min3A_351 = arith.constant 42 : i32
        %min3A_352 = arith.minsi %add3A_350, %min3A_351 : i32
        %select_n3A_353 = arith.select %and3A_348, %min3A_352, %scan3A_306 : i32
        %add3A_354 = arith.addi %scan3A_307, %reduce_sum3A_325 : i32
        scf.yield %select_n3A_353, %add3A_354, %and3A_348 : i32, i32, i1
      }
      %scan3A_298 = arith.constant 8 : i32
      %add3A_299 = arith.constant 4 : i32
      %add3A_300 = arith.addi %add3A_278, %add3A_299 : i32
      %lt3A_301 = arith.cmpi slt, %add3A_300, %min3A_41 : i32
      %convert_element_type3A_302 = arith.extui %lt3A_301 : i1 to i32
      %cond3A_303 = arith.constant 0 : i32
      %cond3A_304 = arith.cmpi ne, %convert_element_type3A_302, %cond3A_303 : i32
      scf.if %cond3A_304 {
        %add3A_305 = arith.addi %add3A_4, %add3A_278 : i32
        %add3A_306 = arith.constant 4 : i32
        %add3A_307 = arith.addi %add3A_305, %add3A_306 : i32
        %mul3A_308 = arith.constant 256 : i32
        %mul3A_309 = arith.muli %add3A_307, %mul3A_308 : i32
        %multiple_of3A_310 = tpu.assume_multiple %mul3A_309, 256 : i32
        %dma_start3A_311 = arith.constant 0 : i32
        %dma_start3A_312 = tpu.memref_slice %arg4[%dma_start3A_311, %multiple_of3A_310] : memref<64x1000000xf32, #tpu.memory_space<hbm>> -> memref<64x256xf32, #tpu.memory_space<hbm>>
        %dma_start3A_313 = arith.constant 0 : i32
        %dma_start3A_314 = tpu.memref_slice %arg4[%dma_start3A_313, %multiple_of3A_310] : memref<64x1000000xf32, #tpu.memory_space<hbm>> -> memref<64x256xf32, #tpu.memory_space<hbm>>
        tpu.enqueue_dma source(%dma_start3A_314 : memref<64x256xf32, #tpu.memory_space<hbm>>) target(%arg14 : memref<64x256xf32, #tpu.memory_space<vmem>>) target_semaphore(%arg19 : memref<!tpu.dma_semaphore, #tpu.memory_space<semaphore_mem>>)
      } else {
      }
      scf.yield %scan3A_297#0, %scan3A_297#1 : i32, i32
    }
    %scan3A_98 = arith.constant 16 : i32
    %dma_start3A_99 = arith.constant 0 : i32
    %dma_start3A_100 = arith.constant 0 : i32
    %dma_start3A_101 = tpu.memref_slice %arg6[%dma_start3A_99, %dma_start3A_100] : memref<16416x128xf32, #tpu.memory_space<hbm>> -> memref<16416x128xf32, #tpu.memory_space<hbm>>
    tpu.enqueue_indirect_dma source(%arg15 : memref<352x128xf32, #tpu.memory_space<vmem>>) target(%dma_start3A_101 : memref<16416x128xf32, #tpu.memory_space<hbm>>) offsets(%arg10 : memref<352xi32, #tpu.memory_space<vmem>>) semaphore(%arg16 : memref<!tpu.dma_semaphore, #tpu.memory_space<semaphore_mem>>)
    %dma_wait3A = arith.constant 0 : i32
    %dma_wait3A_102 = arith.constant 0 : i32
    %dma_wait3A_103 = tpu.memref_slice %arg6[%dma_wait3A, %dma_wait3A_102] : memref<16416x128xf32, #tpu.memory_space<hbm>> -> memref<16416x128xf32, #tpu.memory_space<hbm>>
    tpu.wait_indirect_dma semaphore(%arg16 : memref<!tpu.dma_semaphore, #tpu.memory_space<semaphore_mem>>) src(%arg15 : memref<352x128xf32, #tpu.memory_space<vmem>>) dst(%dma_wait3A_103 : memref<16416x128xf32, #tpu.memory_space<hbm>>)
    %scan3A_104 = arith.constant 0 : i32
    %scan3A_105 = arith.constant 0 : i32
    %scan3A_106 = arith.constant 22 : i32
    %scan3A_107 = arith.addi %scan3A_105, %scan3A_106 : i32
    %scan3A_108 = arith.constant 1 : i32
    scf.for %scan3A_176 = %scan3A_105 to %scan3A_107 step %scan3A_108  : i32 {
      %add3A_177 = vector.broadcast %add3A_39 : i32 to vector<16xi32>
      %add3A_178 = arith.addi %broadcast_in_dim3A_11, %add3A_177 : vector<16xi32>
      %mul3A_179 = arith.constant 16 : i32
      %mul3A_180 = arith.muli %scan3A_176, %mul3A_179 : i32
      %swap3A = arith.index_cast %mul3A_180 : i32 to index
      %swap3A_181 = tpu.vector_load %arg10[%swap3A] {strides = array<i32>} : memref<352xi32, #tpu.memory_space<vmem>>, vector<16xi32>,
      tpu.vector_store %arg10[%swap3A], %add3A_178 {strides = array<i32>} : memref<352xi32, #tpu.memory_space<vmem>>, vector<16xi32>,
    }
    %scan3A_109 = arith.constant 22 : i32
    %add3A_110 = arith.constant 61 : i32
    %add3A_111 = arith.addi %add3A_4, %add3A_110 : i32
    %add3A_112 = arith.constant 0 : i32
    %add3A_113 = arith.addi %add3A_111, %add3A_112 : i32
    %mul3A_114 = arith.constant 256 : i32
    %mul3A_115 = arith.muli %add3A_113, %mul3A_114 : i32
    %multiple_of3A_116 = tpu.assume_multiple %mul3A_115, 256 : i32
    %dma_start3A_117 = arith.constant 0 : i32
    %dma_start3A_118 = tpu.memref_slice %arg4[%dma_start3A_117, %multiple_of3A_116] : memref<64x1000000xf32, #tpu.memory_space<hbm>> -> memref<64x256xf32, #tpu.memory_space<hbm>>
    %dma_start3A_119 = arith.constant 0 : i32
    %dma_start3A_120 = tpu.memref_slice %arg4[%dma_start3A_119, %multiple_of3A_116] : memref<64x1000000xf32, #tpu.memory_space<hbm>> -> memref<64x256xf32, #tpu.memory_space<hbm>>
    tpu.enqueue_dma source(%dma_start3A_120 : memref<64x256xf32, #tpu.memory_space<hbm>>) target(%arg11 : memref<64x256xf32, #tpu.memory_space<vmem>>) target_semaphore(%arg16 : memref<!tpu.dma_semaphore, #tpu.memory_space<semaphore_mem>>)
    %add3A_121 = arith.constant 61 : i32
    %add3A_122 = arith.addi %add3A_4, %add3A_121 : i32
    %add3A_123 = arith.constant 1 : i32
    %add3A_124 = arith.addi %add3A_122, %add3A_123 : i32
    %mul3A_125 = arith.constant 256 : i32
    %mul3A_126 = arith.muli %add3A_124, %mul3A_125 : i32
    %multiple_of3A_127 = tpu.assume_multiple %mul3A_126, 256 : i32
    %dma_start3A_128 = arith.constant 0 : i32
    %dma_start3A_129 = tpu.memref_slice %arg4[%dma_start3A_128, %multiple_of3A_127] : memref<64x1000000xf32, #tpu.memory_space<hbm>> -> memref<64x256xf32, #tpu.memory_space<hbm>>
    %dma_start3A_130 = arith.constant 0 : i32
    %dma_start3A_131 = tpu.memref_slice %arg4[%dma_start3A_130, %multiple_of3A_127] : memref<64x1000000xf32, #tpu.memory_space<hbm>> -> memref<64x256xf32, #tpu.memory_space<hbm>>
    tpu.enqueue_dma source(%dma_start3A_131 : memref<64x256xf32, #tpu.memory_space<hbm>>) target(%arg12 : memref<64x256xf32, #tpu.memory_space<vmem>>) target_semaphore(%arg17 : memref<!tpu.dma_semaphore, #tpu.memory_space<semaphore_mem>>)
    %add3A_132 = arith.constant 61 : i32
    %add3A_133 = arith.addi %add3A_4, %add3A_132 : i32
    %add3A_134 = arith.constant 2 : i32
    %add3A_135 = arith.addi %add3A_133, %add3A_134 : i32
    %mul3A_136 = arith.constant 256 : i32
    %mul3A_137 = arith.muli %add3A_135, %mul3A_136 : i32
    %multiple_of3A_138 = tpu.assume_multiple %mul3A_137, 256 : i32
    %dma_start3A_139 = arith.constant 0 : i32
    %dma_start3A_140 = tpu.memref_slice %arg4[%dma_start3A_139, %multiple_of3A_138] : memref<64x1000000xf32, #tpu.memory_space<hbm>> -> memref<64x256xf32, #tpu.memory_space<hbm>>
    %dma_start3A_141 = arith.constant 0 : i32
    %dma_start3A_142 = tpu.memref_slice %arg4[%dma_start3A_141, %multiple_of3A_138] : memref<64x1000000xf32, #tpu.memory_space<hbm>> -> memref<64x256xf32, #tpu.memory_space<hbm>>
    tpu.enqueue_dma source(%dma_start3A_142 : memref<64x256xf32, #tpu.memory_space<hbm>>) target(%arg13 : memref<64x256xf32, #tpu.memory_space<vmem>>) target_semaphore(%arg18 : memref<!tpu.dma_semaphore, #tpu.memory_space<semaphore_mem>>)
    %add3A_143 = arith.constant 61 : i32
    %add3A_144 = arith.addi %add3A_4, %add3A_143 : i32
    %add3A_145 = arith.constant 3 : i32
    %add3A_146 = arith.addi %add3A_144, %add3A_145 : i32
    %mul3A_147 = arith.constant 256 : i32
    %mul3A_148 = arith.muli %add3A_146, %mul3A_147 : i32
    %multiple_of3A_149 = tpu.assume_multiple %mul3A_148, 256 : i32
    %dma_start3A_150 = arith.constant 0 : i32
    %dma_start3A_151 = tpu.memref_slice %arg4[%dma_start3A_150, %multiple_of3A_149] : memref<64x1000000xf32, #tpu.memory_space<hbm>> -> memref<64x256xf32, #tpu.memory_space<hbm>>
    %dma_start3A_152 = arith.constant 0 : i32
    %dma_start3A_153 = tpu.memref_slice %arg4[%dma_start3A_152, %multiple_of3A_149] : memref<64x1000000xf32, #tpu.memory_space<hbm>> -> memref<64x256xf32, #tpu.memory_space<hbm>>
    tpu.enqueue_dma source(%dma_start3A_153 : memref<64x256xf32, #tpu.memory_space<hbm>>) target(%arg14 : memref<64x256xf32, #tpu.memory_space<vmem>>) target_semaphore(%arg19 : memref<!tpu.dma_semaphore, #tpu.memory_space<semaphore_mem>>)
    %scan3A_154 = arith.constant 0 : i32
    %scan3A_155 = arith.constant 0 : i32
    %scan3A_156 = arith.constant 16 : i32
    %scan3A_157 = arith.addi %scan3A_155, %scan3A_156 : i32
    %scan3A_158 = arith.constant 1 : i32
    %scan3A_159:2 = scf.for %scan3A_176 = %scan3A_155 to %scan3A_157 step %scan3A_158 iter_args(%scan3A_177 = %scan3A_97#0, %scan3A_178 = %scan3A_154) -> (i32, i32)  : i32 {
      %mul3A_179 = arith.constant 4 : i32
      %mul3A_180 = arith.muli %mul3A_179, %scan3A_176 : i32
      %add3A_181 = arith.constant 61 : i32
      %add3A_182 = arith.addi %add3A_181, %mul3A_180 : i32
      %add3A_183 = arith.constant 0 : i32
      %add3A_184 = arith.addi %add3A_182, %add3A_183 : i32
      %lt3A_185 = arith.cmpi slt, %add3A_184, %add3A_8 : i32
      %convert_element_type3A = arith.extui %lt3A_185 : i1 to i32
      %cond3A = arith.constant 0 : i32
      %cond3A_186 = arith.cmpi ne, %convert_element_type3A, %cond3A : i32
      scf.if %cond3A_186 {
        %dma_wait3A_305 = arith.constant 0 : i32
        %dma_wait3A_306 = arith.constant 0 : i32
        %dma_wait3A_307 = tpu.memref_slice %arg4[%dma_wait3A_305, %dma_wait3A_306] : memref<64x1000000xf32, #tpu.memory_space<hbm>> -> memref<64x256xf32, #tpu.memory_space<hbm>>
        %dma_wait3A_308 = arith.constant 0 : i32
        %dma_wait3A_309 = arith.constant 0 : i32
        %dma_wait3A_310 = tpu.memref_slice %arg4[%dma_wait3A_308, %dma_wait3A_309] : memref<64x1000000xf32, #tpu.memory_space<hbm>> -> memref<64x256xf32, #tpu.memory_space<hbm>>
        tpu.wait_dma2 semaphore(%arg16 : memref<!tpu.dma_semaphore, #tpu.memory_space<semaphore_mem>>) src(%dma_wait3A_310 : memref<64x256xf32, #tpu.memory_space<hbm>>) dst(%arg11 : memref<64x256xf32, #tpu.memory_space<vmem>>)
      } else {
      }
      %lt3A_187 = arith.cmpi slt, %add3A_184, %add3A_8 : i32
      %add3A_188 = arith.addi %add3A_4, %add3A_184 : i32
      %mul3A_189 = arith.constant 256 : i32
      %mul3A_190 = arith.muli %add3A_188, %mul3A_189 : i32
      %jit3A_191 = arith.constant 0 : i32
      %select_n3A_192 = arith.select %lt3A_187, %mul3A_190, %jit3A_191 : i32
      %jit3A_193 = arith.constant 256 : i32
      %jit3A_194 = arith.constant 0 : i32
      %select_n3A_195 = arith.select %lt3A_187, %jit3A_193, %jit3A_194 : i32
      %scan3A_196 = arith.constant true
      %scan3A_197 = arith.constant 0 : i32
      %scan3A_198 = arith.constant 8 : i32
      %scan3A_199 = arith.addi %scan3A_197, %scan3A_198 : i32
      %scan3A_200 = arith.constant 1 : i32
      %scan3A_201:3 = scf.for %scan3A_305 = %scan3A_197 to %scan3A_199 step %scan3A_200 iter_args(%scan3A_306 = %scan3A_177, %scan3A_307 = %scan3A_178, %scan3A_308 = %scan3A_196) -> (i32, i32, i1)  : i32 {
        %mul3A_309 = arith.constant 16 : i32
        %mul3A_310 = arith.muli %scan3A_306, %mul3A_309 : i32
        %multiple_of3A_311 = tpu.assume_multiple %mul3A_310, 16 : i32
        %get3A = arith.index_cast %multiple_of3A_311 : i32 to index
        %get3A_312 = tpu.vector_load %arg8[%get3A] {strides = array<i32>} : memref<712xi32, #tpu.memory_space<vmem>>, vector<16xi32>,
        %get3A_313 = arith.index_cast %multiple_of3A_311 : i32 to index
        %get3A_314 = tpu.vector_load %arg9[%get3A_313] {strides = array<i32>} : memref<712xi32, #tpu.memory_space<vmem>>, vector<16xi32>,
        %add3A_315 = arith.addi %select_n3A_192, %select_n3A_195 : i32
        %lt3A_316 = vector.broadcast %add3A_315 : i32 to vector<16xi32>
        %lt3A_317 = arith.cmpi slt, %get3A_312, %lt3A_316 : vector<16xi32>
        %ge3A = vector.broadcast %select_n3A_192 : i32 to vector<16xi32>
        %ge3A_318 = arith.cmpi sge, %get3A_312, %ge3A : vector<16xi32>
        %and3A_319 = arith.andi %ge3A_318, %lt3A_317 : vector<16xi1>
        %and3A_320 = vector.broadcast %scan3A_308 : i1 to vector<16xi1>
        %and3A_321 = arith.andi %and3A_319, %and3A_320 : vector<16xi1>
        %convert_element_type3A_322 = arith.extui %and3A_321 : vector<16xi1> to vector<16xi32>
        %reduce_sum3A = arith.constant true
        %reduce_sum3A_323 = vector.broadcast %reduce_sum3A : i1 to vector<16xi1>
        %reduce_sum3A_324 = tpu.scan <sum>, %convert_element_type3A_322 masked %reduce_sum3A_323 : vector<16xi32>, vector<16xi1> -> vector<16xi32>
        %reduce_sum3A_325 = vector.extract %reduce_sum3A_324[15] : i32 from vector<16xi32>
        %broadcast_in_dim3A_326 = arith.constant true
        %broadcast_in_dim3A_327 = vector.broadcast %broadcast_in_dim3A_326 : i1 to vector<16xi1>
        %masked_cumsum3A = tpu.scan <sum>, %convert_element_type3A_322 masked %broadcast_in_dim3A_327 : vector<16xi32>, vector<16xi1> -> vector<16xi32>
        %sub3A_328 = arith.constant 1 : i32
        %sub3A_329 = vector.broadcast %sub3A_328 : i32 to vector<16xi32>
        %sub3A_330 = arith.subi %masked_cumsum3A, %sub3A_329 : vector<16xi32>
        %add3A_331 = vector.broadcast %scan3A_307 : i32 to vector<16xi32>
        %add3A_332 = arith.addi %add3A_331, %sub3A_330 : vector<16xi32>
        %min3A_333 = arith.constant 351 : i32
        %min3A_334 = vector.broadcast %min3A_333 : i32 to vector<16xi32>
        %min3A_335 = arith.minsi %add3A_332, %min3A_334 : vector<16xi32>
        %sub3A_336 = vector.broadcast %select_n3A_192 : i32 to vector<16xi32>
        %sub3A_337 = arith.subi %get3A_312, %sub3A_336 : vector<16xi32>
        %gt3A = arith.constant 0 : i32
        %gt3A_338 = arith.cmpi sgt, %reduce_sum3A_325, %gt3A : i32
        %convert_element_type3A_339 = arith.extui %gt3A_338 : i1 to i32
        %cond3A_340 = arith.constant 0 : i32
        %cond3A_341 = arith.cmpi ne, %convert_element_type3A_339, %cond3A_340 : i32
        scf.if %cond3A_341 {
          tpu.vector_store_idx %arg10[%min3A_335], %get3A_314 masked %and3A_321 : memref<352xi32, #tpu.memory_space<vmem>>[vector<16xi32>], vector<16xi32>, vector<16xi1>
          %scan3A_355 = arith.constant 0 : i32
          %scan3A_356 = arith.constant 0 : i32
          %scan3A_357 = arith.constant 64 : i32
          %scan3A_358 = arith.addi %scan3A_356, %scan3A_357 : i32
          %scan3A_359 = arith.constant 1 : i32
          scf.for %scan3A_361 = %scan3A_356 to %scan3A_358 step %scan3A_359  : i32 {
            %add3A_362 = vector.broadcast %scan3A_361 : i32 to vector<16xi32>
            %add3A_363 = arith.addi %broadcast_in_dim3A_11, %add3A_362 : vector<16xi32>
            %gather3A = tpu.vector_load_idx %arg11[%add3A_363, %sub3A_337] masked %and3A_321 : memref<64x256xf32, #tpu.memory_space<vmem>>[vector<16xi32>, vector<16xi32>], vector<16xf32>, vector<16xi1>
            %add3A_364 = vector.broadcast %scan3A_361 : i32 to vector<16xi32>
            %add3A_365 = arith.addi %broadcast_in_dim3A_11, %add3A_364 : vector<16xi32>
            tpu.vector_store_idx %arg15[%min3A_335, %add3A_365], %gather3A masked %and3A_321 : memref<352x128xf32, #tpu.memory_space<vmem>>[vector<16xi32>, vector<16xi32>], vector<16xf32>, vector<16xi1>
          }
          %scan3A_360 = arith.constant 64 : i32
        } else {
        }
        %convert_element_type3A_342 = arith.extui %lt3A_317 : vector<16xi1> to vector<16xi32>
        %reduce_sum3A_343 = arith.constant true
        %reduce_sum3A_344 = vector.broadcast %reduce_sum3A_343 : i1 to vector<16xi1>
        %reduce_sum3A_345 = tpu.scan <sum>, %convert_element_type3A_342 masked %reduce_sum3A_344 : vector<16xi32>, vector<16xi1> -> vector<16xi32>
        %reduce_sum3A_346 = vector.extract %reduce_sum3A_345[15] : i32 from vector<16xi32>
        %eq3A = arith.constant 16 : i32
        %eq3A_347 = arith.cmpi eq, %reduce_sum3A_346, %eq3A : i32
        %and3A_348 = arith.andi %scan3A_308, %eq3A_347 : i1
        %add3A_349 = arith.constant 1 : i32
        %add3A_350 = arith.addi %scan3A_306, %add3A_349 : i32
        %min3A_351 = arith.constant 42 : i32
        %min3A_352 = arith.minsi %add3A_350, %min3A_351 : i32
        %select_n3A_353 = arith.select %and3A_348, %min3A_352, %scan3A_306 : i32
        %add3A_354 = arith.addi %scan3A_307, %reduce_sum3A_325 : i32
        scf.yield %select_n3A_353, %add3A_354, %and3A_348 : i32, i32, i1
      }
      %scan3A_202 = arith.constant 8 : i32
      %add3A_203 = arith.constant 4 : i32
      %add3A_204 = arith.addi %add3A_184, %add3A_203 : i32
      %lt3A_205 = arith.cmpi slt, %add3A_204, %add3A_8 : i32
      %convert_element_type3A_206 = arith.extui %lt3A_205 : i1 to i32
      %cond3A_207 = arith.constant 0 : i32
      %cond3A_208 = arith.cmpi ne, %convert_element_type3A_206, %cond3A_207 : i32
      scf.if %cond3A_208 {
        %add3A_305 = arith.addi %add3A_4, %add3A_184 : i32
        %add3A_306 = arith.constant 4 : i32
        %add3A_307 = arith.addi %add3A_305, %add3A_306 : i32
        %mul3A_308 = arith.constant 256 : i32
        %mul3A_309 = arith.muli %add3A_307, %mul3A_308 : i32
        %multiple_of3A_310 = tpu.assume_multiple %mul3A_309, 256 : i32
        %dma_start3A_311 = arith.constant 0 : i32
        %dma_start3A_312 = tpu.memref_slice %arg4[%dma_start3A_311, %multiple_of3A_310] : memref<64x1000000xf32, #tpu.memory_space<hbm>> -> memref<64x256xf32, #tpu.memory_space<hbm>>
        %dma_start3A_313 = arith.constant 0 : i32
        %dma_start3A_314 = tpu.memref_slice %arg4[%dma_start3A_313, %multiple_of3A_310] : memref<64x1000000xf32, #tpu.memory_space<hbm>> -> memref<64x256xf32, #tpu.memory_space<hbm>>
        tpu.enqueue_dma source(%dma_start3A_314 : memref<64x256xf32, #tpu.memory_space<hbm>>) target(%arg11 : memref<64x256xf32, #tpu.memory_space<vmem>>) target_semaphore(%arg16 : memref<!tpu.dma_semaphore, #tpu.memory_space<semaphore_mem>>)
      } else {
      }
      %mul3A_209 = arith.constant 4 : i32
      %mul3A_210 = arith.muli %mul3A_209, %scan3A_176 : i32
      %add3A_211 = arith.constant 61 : i32
      %add3A_212 = arith.addi %add3A_211, %mul3A_210 : i32
      %add3A_213 = arith.constant 1 : i32
      %add3A_214 = arith.addi %add3A_212, %add3A_213 : i32
      %lt3A_215 = arith.cmpi slt, %add3A_214, %add3A_8 : i32
      %convert_element_type3A_216 = arith.extui %lt3A_215 : i1 to i32
      %cond3A_217 = arith.constant 0 : i32
      %cond3A_218 = arith.cmpi ne, %convert_element_type3A_216, %cond3A_217 : i32
      scf.if %cond3A_218 {
        %dma_wait3A_305 = arith.constant 0 : i32
        %dma_wait3A_306 = arith.constant 0 : i32
        %dma_wait3A_307 = tpu.memref_slice %arg4[%dma_wait3A_305, %dma_wait3A_306] : memref<64x1000000xf32, #tpu.memory_space<hbm>> -> memref<64x256xf32, #tpu.memory_space<hbm>>
        %dma_wait3A_308 = arith.constant 0 : i32
        %dma_wait3A_309 = arith.constant 0 : i32
        %dma_wait3A_310 = tpu.memref_slice %arg4[%dma_wait3A_308, %dma_wait3A_309] : memref<64x1000000xf32, #tpu.memory_space<hbm>> -> memref<64x256xf32, #tpu.memory_space<hbm>>
        tpu.wait_dma2 semaphore(%arg17 : memref<!tpu.dma_semaphore, #tpu.memory_space<semaphore_mem>>) src(%dma_wait3A_310 : memref<64x256xf32, #tpu.memory_space<hbm>>) dst(%arg12 : memref<64x256xf32, #tpu.memory_space<vmem>>)
      } else {
      }
      %lt3A_219 = arith.cmpi slt, %add3A_214, %add3A_8 : i32
      %add3A_220 = arith.addi %add3A_4, %add3A_214 : i32
      %mul3A_221 = arith.constant 256 : i32
      %mul3A_222 = arith.muli %add3A_220, %mul3A_221 : i32
      %jit3A_223 = arith.constant 0 : i32
      %select_n3A_224 = arith.select %lt3A_219, %mul3A_222, %jit3A_223 : i32
      %jit3A_225 = arith.constant 256 : i32
      %jit3A_226 = arith.constant 0 : i32
      %select_n3A_227 = arith.select %lt3A_219, %jit3A_225, %jit3A_226 : i32
      %scan3A_228 = arith.constant true
      %scan3A_229 = arith.constant 0 : i32
      %scan3A_230 = arith.constant 8 : i32
      %scan3A_231 = arith.addi %scan3A_229, %scan3A_230 : i32
      %scan3A_232 = arith.constant 1 : i32
      %scan3A_233:3 = scf.for %scan3A_305 = %scan3A_229 to %scan3A_231 step %scan3A_232 iter_args(%scan3A_306 = %scan3A_201#0, %scan3A_307 = %scan3A_201#1, %scan3A_308 = %scan3A_228) -> (i32, i32, i1)  : i32 {
        %mul3A_309 = arith.constant 16 : i32
        %mul3A_310 = arith.muli %scan3A_306, %mul3A_309 : i32
        %multiple_of3A_311 = tpu.assume_multiple %mul3A_310, 16 : i32
        %get3A = arith.index_cast %multiple_of3A_311 : i32 to index
        %get3A_312 = tpu.vector_load %arg8[%get3A] {strides = array<i32>} : memref<712xi32, #tpu.memory_space<vmem>>, vector<16xi32>,
        %get3A_313 = arith.index_cast %multiple_of3A_311 : i32 to index
        %get3A_314 = tpu.vector_load %arg9[%get3A_313] {strides = array<i32>} : memref<712xi32, #tpu.memory_space<vmem>>, vector<16xi32>,
        %add3A_315 = arith.addi %select_n3A_224, %select_n3A_227 : i32
        %lt3A_316 = vector.broadcast %add3A_315 : i32 to vector<16xi32>
        %lt3A_317 = arith.cmpi slt, %get3A_312, %lt3A_316 : vector<16xi32>
        %ge3A = vector.broadcast %select_n3A_224 : i32 to vector<16xi32>
        %ge3A_318 = arith.cmpi sge, %get3A_312, %ge3A : vector<16xi32>
        %and3A_319 = arith.andi %ge3A_318, %lt3A_317 : vector<16xi1>
        %and3A_320 = vector.broadcast %scan3A_308 : i1 to vector<16xi1>
        %and3A_321 = arith.andi %and3A_319, %and3A_320 : vector<16xi1>
        %convert_element_type3A_322 = arith.extui %and3A_321 : vector<16xi1> to vector<16xi32>
        %reduce_sum3A = arith.constant true
        %reduce_sum3A_323 = vector.broadcast %reduce_sum3A : i1 to vector<16xi1>
        %reduce_sum3A_324 = tpu.scan <sum>, %convert_element_type3A_322 masked %reduce_sum3A_323 : vector<16xi32>, vector<16xi1> -> vector<16xi32>
        %reduce_sum3A_325 = vector.extract %reduce_sum3A_324[15] : i32 from vector<16xi32>
        %broadcast_in_dim3A_326 = arith.constant true
        %broadcast_in_dim3A_327 = vector.broadcast %broadcast_in_dim3A_326 : i1 to vector<16xi1>
        %masked_cumsum3A = tpu.scan <sum>, %convert_element_type3A_322 masked %broadcast_in_dim3A_327 : vector<16xi32>, vector<16xi1> -> vector<16xi32>
        %sub3A_328 = arith.constant 1 : i32
        %sub3A_329 = vector.broadcast %sub3A_328 : i32 to vector<16xi32>
        %sub3A_330 = arith.subi %masked_cumsum3A, %sub3A_329 : vector<16xi32>
        %add3A_331 = vector.broadcast %scan3A_307 : i32 to vector<16xi32>
        %add3A_332 = arith.addi %add3A_331, %sub3A_330 : vector<16xi32>
        %min3A_333 = arith.constant 351 : i32
        %min3A_334 = vector.broadcast %min3A_333 : i32 to vector<16xi32>
        %min3A_335 = arith.minsi %add3A_332, %min3A_334 : vector<16xi32>
        %sub3A_336 = vector.broadcast %select_n3A_224 : i32 to vector<16xi32>
        %sub3A_337 = arith.subi %get3A_312, %sub3A_336 : vector<16xi32>
        %gt3A = arith.constant 0 : i32
        %gt3A_338 = arith.cmpi sgt, %reduce_sum3A_325, %gt3A : i32
        %convert_element_type3A_339 = arith.extui %gt3A_338 : i1 to i32
        %cond3A_340 = arith.constant 0 : i32
        %cond3A_341 = arith.cmpi ne, %convert_element_type3A_339, %cond3A_340 : i32
        scf.if %cond3A_341 {
          tpu.vector_store_idx %arg10[%min3A_335], %get3A_314 masked %and3A_321 : memref<352xi32, #tpu.memory_space<vmem>>[vector<16xi32>], vector<16xi32>, vector<16xi1>
          %scan3A_355 = arith.constant 0 : i32
          %scan3A_356 = arith.constant 0 : i32
          %scan3A_357 = arith.constant 64 : i32
          %scan3A_358 = arith.addi %scan3A_356, %scan3A_357 : i32
          %scan3A_359 = arith.constant 1 : i32
          scf.for %scan3A_361 = %scan3A_356 to %scan3A_358 step %scan3A_359  : i32 {
            %add3A_362 = vector.broadcast %scan3A_361 : i32 to vector<16xi32>
            %add3A_363 = arith.addi %broadcast_in_dim3A_11, %add3A_362 : vector<16xi32>
            %gather3A = tpu.vector_load_idx %arg12[%add3A_363, %sub3A_337] masked %and3A_321 : memref<64x256xf32, #tpu.memory_space<vmem>>[vector<16xi32>, vector<16xi32>], vector<16xf32>, vector<16xi1>
            %add3A_364 = vector.broadcast %scan3A_361 : i32 to vector<16xi32>
            %add3A_365 = arith.addi %broadcast_in_dim3A_11, %add3A_364 : vector<16xi32>
            tpu.vector_store_idx %arg15[%min3A_335, %add3A_365], %gather3A masked %and3A_321 : memref<352x128xf32, #tpu.memory_space<vmem>>[vector<16xi32>, vector<16xi32>], vector<16xf32>, vector<16xi1>
          }
          %scan3A_360 = arith.constant 64 : i32
        } else {
        }
        %convert_element_type3A_342 = arith.extui %lt3A_317 : vector<16xi1> to vector<16xi32>
        %reduce_sum3A_343 = arith.constant true
        %reduce_sum3A_344 = vector.broadcast %reduce_sum3A_343 : i1 to vector<16xi1>
        %reduce_sum3A_345 = tpu.scan <sum>, %convert_element_type3A_342 masked %reduce_sum3A_344 : vector<16xi32>, vector<16xi1> -> vector<16xi32>
        %reduce_sum3A_346 = vector.extract %reduce_sum3A_345[15] : i32 from vector<16xi32>
        %eq3A = arith.constant 16 : i32
        %eq3A_347 = arith.cmpi eq, %reduce_sum3A_346, %eq3A : i32
        %and3A_348 = arith.andi %scan3A_308, %eq3A_347 : i1
        %add3A_349 = arith.constant 1 : i32
        %add3A_350 = arith.addi %scan3A_306, %add3A_349 : i32
        %min3A_351 = arith.constant 42 : i32
        %min3A_352 = arith.minsi %add3A_350, %min3A_351 : i32
        %select_n3A_353 = arith.select %and3A_348, %min3A_352, %scan3A_306 : i32
        %add3A_354 = arith.addi %scan3A_307, %reduce_sum3A_325 : i32
        scf.yield %select_n3A_353, %add3A_354, %and3A_348 : i32, i32, i1
      }
      %scan3A_234 = arith.constant 8 : i32
      %add3A_235 = arith.constant 4 : i32
      %add3A_236 = arith.addi %add3A_214, %add3A_235 : i32
      %lt3A_237 = arith.cmpi slt, %add3A_236, %add3A_8 : i32
      %convert_element_type3A_238 = arith.extui %lt3A_237 : i1 to i32
      %cond3A_239 = arith.constant 0 : i32
      %cond3A_240 = arith.cmpi ne, %convert_element_type3A_238, %cond3A_239 : i32
      scf.if %cond3A_240 {
        %add3A_305 = arith.addi %add3A_4, %add3A_214 : i32
        %add3A_306 = arith.constant 4 : i32
        %add3A_307 = arith.addi %add3A_305, %add3A_306 : i32
        %mul3A_308 = arith.constant 256 : i32
        %mul3A_309 = arith.muli %add3A_307, %mul3A_308 : i32
        %multiple_of3A_310 = tpu.assume_multiple %mul3A_309, 256 : i32
        %dma_start3A_311 = arith.constant 0 : i32
        %dma_start3A_312 = tpu.memref_slice %arg4[%dma_start3A_311, %multiple_of3A_310] : memref<64x1000000xf32, #tpu.memory_space<hbm>> -> memref<64x256xf32, #tpu.memory_space<hbm>>
        %dma_start3A_313 = arith.constant 0 : i32
        %dma_start3A_314 = tpu.memref_slice %arg4[%dma_start3A_313, %multiple_of3A_310] : memref<64x1000000xf32, #tpu.memory_space<hbm>> -> memref<64x256xf32, #tpu.memory_space<hbm>>
        tpu.enqueue_dma source(%dma_start3A_314 : memref<64x256xf32, #tpu.memory_space<hbm>>) target(%arg12 : memref<64x256xf32, #tpu.memory_space<vmem>>) target_semaphore(%arg17 : memref<!tpu.dma_semaphore, #tpu.memory_space<semaphore_mem>>)
      } else {
      }
      %mul3A_241 = arith.constant 4 : i32
      %mul3A_242 = arith.muli %mul3A_241, %scan3A_176 : i32
      %add3A_243 = arith.constant 61 : i32
      %add3A_244 = arith.addi %add3A_243, %mul3A_242 : i32
      %add3A_245 = arith.constant 2 : i32
      %add3A_246 = arith.addi %add3A_244, %add3A_245 : i32
      %lt3A_247 = arith.cmpi slt, %add3A_246, %add3A_8 : i32
      %convert_element_type3A_248 = arith.extui %lt3A_247 : i1 to i32
      %cond3A_249 = arith.constant 0 : i32
      %cond3A_250 = arith.cmpi ne, %convert_element_type3A_248, %cond3A_249 : i32
      scf.if %cond3A_250 {
        %dma_wait3A_305 = arith.constant 0 : i32
        %dma_wait3A_306 = arith.constant 0 : i32
        %dma_wait3A_307 = tpu.memref_slice %arg4[%dma_wait3A_305, %dma_wait3A_306] : memref<64x1000000xf32, #tpu.memory_space<hbm>> -> memref<64x256xf32, #tpu.memory_space<hbm>>
        %dma_wait3A_308 = arith.constant 0 : i32
        %dma_wait3A_309 = arith.constant 0 : i32
        %dma_wait3A_310 = tpu.memref_slice %arg4[%dma_wait3A_308, %dma_wait3A_309] : memref<64x1000000xf32, #tpu.memory_space<hbm>> -> memref<64x256xf32, #tpu.memory_space<hbm>>
        tpu.wait_dma2 semaphore(%arg18 : memref<!tpu.dma_semaphore, #tpu.memory_space<semaphore_mem>>) src(%dma_wait3A_310 : memref<64x256xf32, #tpu.memory_space<hbm>>) dst(%arg13 : memref<64x256xf32, #tpu.memory_space<vmem>>)
      } else {
      }
      %lt3A_251 = arith.cmpi slt, %add3A_246, %add3A_8 : i32
      %add3A_252 = arith.addi %add3A_4, %add3A_246 : i32
      %mul3A_253 = arith.constant 256 : i32
      %mul3A_254 = arith.muli %add3A_252, %mul3A_253 : i32
      %jit3A_255 = arith.constant 0 : i32
      %select_n3A_256 = arith.select %lt3A_251, %mul3A_254, %jit3A_255 : i32
      %jit3A_257 = arith.constant 256 : i32
      %jit3A_258 = arith.constant 0 : i32
      %select_n3A_259 = arith.select %lt3A_251, %jit3A_257, %jit3A_258 : i32
      %scan3A_260 = arith.constant true
      %scan3A_261 = arith.constant 0 : i32
      %scan3A_262 = arith.constant 8 : i32
      %scan3A_263 = arith.addi %scan3A_261, %scan3A_262 : i32
      %scan3A_264 = arith.constant 1 : i32
      %scan3A_265:3 = scf.for %scan3A_305 = %scan3A_261 to %scan3A_263 step %scan3A_264 iter_args(%scan3A_306 = %scan3A_233#0, %scan3A_307 = %scan3A_233#1, %scan3A_308 = %scan3A_260) -> (i32, i32, i1)  : i32 {
        %mul3A_309 = arith.constant 16 : i32
        %mul3A_310 = arith.muli %scan3A_306, %mul3A_309 : i32
        %multiple_of3A_311 = tpu.assume_multiple %mul3A_310, 16 : i32
        %get3A = arith.index_cast %multiple_of3A_311 : i32 to index
        %get3A_312 = tpu.vector_load %arg8[%get3A] {strides = array<i32>} : memref<712xi32, #tpu.memory_space<vmem>>, vector<16xi32>,
        %get3A_313 = arith.index_cast %multiple_of3A_311 : i32 to index
        %get3A_314 = tpu.vector_load %arg9[%get3A_313] {strides = array<i32>} : memref<712xi32, #tpu.memory_space<vmem>>, vector<16xi32>,
        %add3A_315 = arith.addi %select_n3A_256, %select_n3A_259 : i32
        %lt3A_316 = vector.broadcast %add3A_315 : i32 to vector<16xi32>
        %lt3A_317 = arith.cmpi slt, %get3A_312, %lt3A_316 : vector<16xi32>
        %ge3A = vector.broadcast %select_n3A_256 : i32 to vector<16xi32>
        %ge3A_318 = arith.cmpi sge, %get3A_312, %ge3A : vector<16xi32>
        %and3A_319 = arith.andi %ge3A_318, %lt3A_317 : vector<16xi1>
        %and3A_320 = vector.broadcast %scan3A_308 : i1 to vector<16xi1>
        %and3A_321 = arith.andi %and3A_319, %and3A_320 : vector<16xi1>
        %convert_element_type3A_322 = arith.extui %and3A_321 : vector<16xi1> to vector<16xi32>
        %reduce_sum3A = arith.constant true
        %reduce_sum3A_323 = vector.broadcast %reduce_sum3A : i1 to vector<16xi1>
        %reduce_sum3A_324 = tpu.scan <sum>, %convert_element_type3A_322 masked %reduce_sum3A_323 : vector<16xi32>, vector<16xi1> -> vector<16xi32>
        %reduce_sum3A_325 = vector.extract %reduce_sum3A_324[15] : i32 from vector<16xi32>
        %broadcast_in_dim3A_326 = arith.constant true
        %broadcast_in_dim3A_327 = vector.broadcast %broadcast_in_dim3A_326 : i1 to vector<16xi1>
        %masked_cumsum3A = tpu.scan <sum>, %convert_element_type3A_322 masked %broadcast_in_dim3A_327 : vector<16xi32>, vector<16xi1> -> vector<16xi32>
        %sub3A_328 = arith.constant 1 : i32
        %sub3A_329 = vector.broadcast %sub3A_328 : i32 to vector<16xi32>
        %sub3A_330 = arith.subi %masked_cumsum3A, %sub3A_329 : vector<16xi32>
        %add3A_331 = vector.broadcast %scan3A_307 : i32 to vector<16xi32>
        %add3A_332 = arith.addi %add3A_331, %sub3A_330 : vector<16xi32>
        %min3A_333 = arith.constant 351 : i32
        %min3A_334 = vector.broadcast %min3A_333 : i32 to vector<16xi32>
        %min3A_335 = arith.minsi %add3A_332, %min3A_334 : vector<16xi32>
        %sub3A_336 = vector.broadcast %select_n3A_256 : i32 to vector<16xi32>
        %sub3A_337 = arith.subi %get3A_312, %sub3A_336 : vector<16xi32>
        %gt3A = arith.constant 0 : i32
        %gt3A_338 = arith.cmpi sgt, %reduce_sum3A_325, %gt3A : i32
        %convert_element_type3A_339 = arith.extui %gt3A_338 : i1 to i32
        %cond3A_340 = arith.constant 0 : i32
        %cond3A_341 = arith.cmpi ne, %convert_element_type3A_339, %cond3A_340 : i32
        scf.if %cond3A_341 {
          tpu.vector_store_idx %arg10[%min3A_335], %get3A_314 masked %and3A_321 : memref<352xi32, #tpu.memory_space<vmem>>[vector<16xi32>], vector<16xi32>, vector<16xi1>
          %scan3A_355 = arith.constant 0 : i32
          %scan3A_356 = arith.constant 0 : i32
          %scan3A_357 = arith.constant 64 : i32
          %scan3A_358 = arith.addi %scan3A_356, %scan3A_357 : i32
          %scan3A_359 = arith.constant 1 : i32
          scf.for %scan3A_361 = %scan3A_356 to %scan3A_358 step %scan3A_359  : i32 {
            %add3A_362 = vector.broadcast %scan3A_361 : i32 to vector<16xi32>
            %add3A_363 = arith.addi %broadcast_in_dim3A_11, %add3A_362 : vector<16xi32>
            %gather3A = tpu.vector_load_idx %arg13[%add3A_363, %sub3A_337] masked %and3A_321 : memref<64x256xf32, #tpu.memory_space<vmem>>[vector<16xi32>, vector<16xi32>], vector<16xf32>, vector<16xi1>
            %add3A_364 = vector.broadcast %scan3A_361 : i32 to vector<16xi32>
            %add3A_365 = arith.addi %broadcast_in_dim3A_11, %add3A_364 : vector<16xi32>
            tpu.vector_store_idx %arg15[%min3A_335, %add3A_365], %gather3A masked %and3A_321 : memref<352x128xf32, #tpu.memory_space<vmem>>[vector<16xi32>, vector<16xi32>], vector<16xf32>, vector<16xi1>
          }
          %scan3A_360 = arith.constant 64 : i32
        } else {
        }
        %convert_element_type3A_342 = arith.extui %lt3A_317 : vector<16xi1> to vector<16xi32>
        %reduce_sum3A_343 = arith.constant true
        %reduce_sum3A_344 = vector.broadcast %reduce_sum3A_343 : i1 to vector<16xi1>
        %reduce_sum3A_345 = tpu.scan <sum>, %convert_element_type3A_342 masked %reduce_sum3A_344 : vector<16xi32>, vector<16xi1> -> vector<16xi32>
        %reduce_sum3A_346 = vector.extract %reduce_sum3A_345[15] : i32 from vector<16xi32>
        %eq3A = arith.constant 16 : i32
        %eq3A_347 = arith.cmpi eq, %reduce_sum3A_346, %eq3A : i32
        %and3A_348 = arith.andi %scan3A_308, %eq3A_347 : i1
        %add3A_349 = arith.constant 1 : i32
        %add3A_350 = arith.addi %scan3A_306, %add3A_349 : i32
        %min3A_351 = arith.constant 42 : i32
        %min3A_352 = arith.minsi %add3A_350, %min3A_351 : i32
        %select_n3A_353 = arith.select %and3A_348, %min3A_352, %scan3A_306 : i32
        %add3A_354 = arith.addi %scan3A_307, %reduce_sum3A_325 : i32
        scf.yield %select_n3A_353, %add3A_354, %and3A_348 : i32, i32, i1
      }
      %scan3A_266 = arith.constant 8 : i32
      %add3A_267 = arith.constant 4 : i32
      %add3A_268 = arith.addi %add3A_246, %add3A_267 : i32
      %lt3A_269 = arith.cmpi slt, %add3A_268, %add3A_8 : i32
      %convert_element_type3A_270 = arith.extui %lt3A_269 : i1 to i32
      %cond3A_271 = arith.constant 0 : i32
      %cond3A_272 = arith.cmpi ne, %convert_element_type3A_270, %cond3A_271 : i32
      scf.if %cond3A_272 {
        %add3A_305 = arith.addi %add3A_4, %add3A_246 : i32
        %add3A_306 = arith.constant 4 : i32
        %add3A_307 = arith.addi %add3A_305, %add3A_306 : i32
        %mul3A_308 = arith.constant 256 : i32
        %mul3A_309 = arith.muli %add3A_307, %mul3A_308 : i32
        %multiple_of3A_310 = tpu.assume_multiple %mul3A_309, 256 : i32
        %dma_start3A_311 = arith.constant 0 : i32
        %dma_start3A_312 = tpu.memref_slice %arg4[%dma_start3A_311, %multiple_of3A_310] : memref<64x1000000xf32, #tpu.memory_space<hbm>> -> memref<64x256xf32, #tpu.memory_space<hbm>>
        %dma_start3A_313 = arith.constant 0 : i32
        %dma_start3A_314 = tpu.memref_slice %arg4[%dma_start3A_313, %multiple_of3A_310] : memref<64x1000000xf32, #tpu.memory_space<hbm>> -> memref<64x256xf32, #tpu.memory_space<hbm>>
        tpu.enqueue_dma source(%dma_start3A_314 : memref<64x256xf32, #tpu.memory_space<hbm>>) target(%arg13 : memref<64x256xf32, #tpu.memory_space<vmem>>) target_semaphore(%arg18 : memref<!tpu.dma_semaphore, #tpu.memory_space<semaphore_mem>>)
      } else {
      }
      %mul3A_273 = arith.constant 4 : i32
      %mul3A_274 = arith.muli %mul3A_273, %scan3A_176 : i32
      %add3A_275 = arith.constant 61 : i32
      %add3A_276 = arith.addi %add3A_275, %mul3A_274 : i32
      %add3A_277 = arith.constant 3 : i32
      %add3A_278 = arith.addi %add3A_276, %add3A_277 : i32
      %lt3A_279 = arith.cmpi slt, %add3A_278, %add3A_8 : i32
      %convert_element_type3A_280 = arith.extui %lt3A_279 : i1 to i32
      %cond3A_281 = arith.constant 0 : i32
      %cond3A_282 = arith.cmpi ne, %convert_element_type3A_280, %cond3A_281 : i32
      scf.if %cond3A_282 {
        %dma_wait3A_305 = arith.constant 0 : i32
        %dma_wait3A_306 = arith.constant 0 : i32
        %dma_wait3A_307 = tpu.memref_slice %arg4[%dma_wait3A_305, %dma_wait3A_306] : memref<64x1000000xf32, #tpu.memory_space<hbm>> -> memref<64x256xf32, #tpu.memory_space<hbm>>
        %dma_wait3A_308 = arith.constant 0 : i32
        %dma_wait3A_309 = arith.constant 0 : i32
        %dma_wait3A_310 = tpu.memref_slice %arg4[%dma_wait3A_308, %dma_wait3A_309] : memref<64x1000000xf32, #tpu.memory_space<hbm>> -> memref<64x256xf32, #tpu.memory_space<hbm>>
        tpu.wait_dma2 semaphore(%arg19 : memref<!tpu.dma_semaphore, #tpu.memory_space<semaphore_mem>>) src(%dma_wait3A_310 : memref<64x256xf32, #tpu.memory_space<hbm>>) dst(%arg14 : memref<64x256xf32, #tpu.memory_space<vmem>>)
      } else {
      }
      %lt3A_283 = arith.cmpi slt, %add3A_278, %add3A_8 : i32
      %add3A_284 = arith.addi %add3A_4, %add3A_278 : i32
      %mul3A_285 = arith.constant 256 : i32
      %mul3A_286 = arith.muli %add3A_284, %mul3A_285 : i32
      %jit3A_287 = arith.constant 0 : i32
      %select_n3A_288 = arith.select %lt3A_283, %mul3A_286, %jit3A_287 : i32
      %jit3A_289 = arith.constant 256 : i32
      %jit3A_290 = arith.constant 0 : i32
      %select_n3A_291 = arith.select %lt3A_283, %jit3A_289, %jit3A_290 : i32
      %scan3A_292 = arith.constant true
      %scan3A_293 = arith.constant 0 : i32
      %scan3A_294 = arith.constant 8 : i32
      %scan3A_295 = arith.addi %scan3A_293, %scan3A_294 : i32
      %scan3A_296 = arith.constant 1 : i32
      %scan3A_297:3 = scf.for %scan3A_305 = %scan3A_293 to %scan3A_295 step %scan3A_296 iter_args(%scan3A_306 = %scan3A_265#0, %scan3A_307 = %scan3A_265#1, %scan3A_308 = %scan3A_292) -> (i32, i32, i1)  : i32 {
        %mul3A_309 = arith.constant 16 : i32
        %mul3A_310 = arith.muli %scan3A_306, %mul3A_309 : i32
        %multiple_of3A_311 = tpu.assume_multiple %mul3A_310, 16 : i32
        %get3A = arith.index_cast %multiple_of3A_311 : i32 to index
        %get3A_312 = tpu.vector_load %arg8[%get3A] {strides = array<i32>} : memref<712xi32, #tpu.memory_space<vmem>>, vector<16xi32>,
        %get3A_313 = arith.index_cast %multiple_of3A_311 : i32 to index
        %get3A_314 = tpu.vector_load %arg9[%get3A_313] {strides = array<i32>} : memref<712xi32, #tpu.memory_space<vmem>>, vector<16xi32>,
        %add3A_315 = arith.addi %select_n3A_288, %select_n3A_291 : i32
        %lt3A_316 = vector.broadcast %add3A_315 : i32 to vector<16xi32>
        %lt3A_317 = arith.cmpi slt, %get3A_312, %lt3A_316 : vector<16xi32>
        %ge3A = vector.broadcast %select_n3A_288 : i32 to vector<16xi32>
        %ge3A_318 = arith.cmpi sge, %get3A_312, %ge3A : vector<16xi32>
        %and3A_319 = arith.andi %ge3A_318, %lt3A_317 : vector<16xi1>
        %and3A_320 = vector.broadcast %scan3A_308 : i1 to vector<16xi1>
        %and3A_321 = arith.andi %and3A_319, %and3A_320 : vector<16xi1>
        %convert_element_type3A_322 = arith.extui %and3A_321 : vector<16xi1> to vector<16xi32>
        %reduce_sum3A = arith.constant true
        %reduce_sum3A_323 = vector.broadcast %reduce_sum3A : i1 to vector<16xi1>
        %reduce_sum3A_324 = tpu.scan <sum>, %convert_element_type3A_322 masked %reduce_sum3A_323 : vector<16xi32>, vector<16xi1> -> vector<16xi32>
        %reduce_sum3A_325 = vector.extract %reduce_sum3A_324[15] : i32 from vector<16xi32>
        %broadcast_in_dim3A_326 = arith.constant true
        %broadcast_in_dim3A_327 = vector.broadcast %broadcast_in_dim3A_326 : i1 to vector<16xi1>
        %masked_cumsum3A = tpu.scan <sum>, %convert_element_type3A_322 masked %broadcast_in_dim3A_327 : vector<16xi32>, vector<16xi1> -> vector<16xi32>
        %sub3A_328 = arith.constant 1 : i32
        %sub3A_329 = vector.broadcast %sub3A_328 : i32 to vector<16xi32>
        %sub3A_330 = arith.subi %masked_cumsum3A, %sub3A_329 : vector<16xi32>
        %add3A_331 = vector.broadcast %scan3A_307 : i32 to vector<16xi32>
        %add3A_332 = arith.addi %add3A_331, %sub3A_330 : vector<16xi32>
        %min3A_333 = arith.constant 351 : i32
        %min3A_334 = vector.broadcast %min3A_333 : i32 to vector<16xi32>
        %min3A_335 = arith.minsi %add3A_332, %min3A_334 : vector<16xi32>
        %sub3A_336 = vector.broadcast %select_n3A_288 : i32 to vector<16xi32>
        %sub3A_337 = arith.subi %get3A_312, %sub3A_336 : vector<16xi32>
        %gt3A = arith.constant 0 : i32
        %gt3A_338 = arith.cmpi sgt, %reduce_sum3A_325, %gt3A : i32
        %convert_element_type3A_339 = arith.extui %gt3A_338 : i1 to i32
        %cond3A_340 = arith.constant 0 : i32
        %cond3A_341 = arith.cmpi ne, %convert_element_type3A_339, %cond3A_340 : i32
        scf.if %cond3A_341 {
          tpu.vector_store_idx %arg10[%min3A_335], %get3A_314 masked %and3A_321 : memref<352xi32, #tpu.memory_space<vmem>>[vector<16xi32>], vector<16xi32>, vector<16xi1>
          %scan3A_355 = arith.constant 0 : i32
          %scan3A_356 = arith.constant 0 : i32
          %scan3A_357 = arith.constant 64 : i32
          %scan3A_358 = arith.addi %scan3A_356, %scan3A_357 : i32
          %scan3A_359 = arith.constant 1 : i32
          scf.for %scan3A_361 = %scan3A_356 to %scan3A_358 step %scan3A_359  : i32 {
            %add3A_362 = vector.broadcast %scan3A_361 : i32 to vector<16xi32>
            %add3A_363 = arith.addi %broadcast_in_dim3A_11, %add3A_362 : vector<16xi32>
            %gather3A = tpu.vector_load_idx %arg14[%add3A_363, %sub3A_337] masked %and3A_321 : memref<64x256xf32, #tpu.memory_space<vmem>>[vector<16xi32>, vector<16xi32>], vector<16xf32>, vector<16xi1>
            %add3A_364 = vector.broadcast %scan3A_361 : i32 to vector<16xi32>
            %add3A_365 = arith.addi %broadcast_in_dim3A_11, %add3A_364 : vector<16xi32>
            tpu.vector_store_idx %arg15[%min3A_335, %add3A_365], %gather3A masked %and3A_321 : memref<352x128xf32, #tpu.memory_space<vmem>>[vector<16xi32>, vector<16xi32>], vector<16xf32>, vector<16xi1>
          }
          %scan3A_360 = arith.constant 64 : i32
        } else {
        }
        %convert_element_type3A_342 = arith.extui %lt3A_317 : vector<16xi1> to vector<16xi32>
        %reduce_sum3A_343 = arith.constant true
        %reduce_sum3A_344 = vector.broadcast %reduce_sum3A_343 : i1 to vector<16xi1>
        %reduce_sum3A_345 = tpu.scan <sum>, %convert_element_type3A_342 masked %reduce_sum3A_344 : vector<16xi32>, vector<16xi1> -> vector<16xi32>
        %reduce_sum3A_346 = vector.extract %reduce_sum3A_345[15] : i32 from vector<16xi32>
        %eq3A = arith.constant 16 : i32
        %eq3A_347 = arith.cmpi eq, %reduce_sum3A_346, %eq3A : i32
        %and3A_348 = arith.andi %scan3A_308, %eq3A_347 : i1
        %add3A_349 = arith.constant 1 : i32
        %add3A_350 = arith.addi %scan3A_306, %add3A_349 : i32
        %min3A_351 = arith.constant 42 : i32
        %min3A_352 = arith.minsi %add3A_350, %min3A_351 : i32
        %select_n3A_353 = arith.select %and3A_348, %min3A_352, %scan3A_306 : i32
        %add3A_354 = arith.addi %scan3A_307, %reduce_sum3A_325 : i32
        scf.yield %select_n3A_353, %add3A_354, %and3A_348 : i32, i32, i1
      }
      %scan3A_298 = arith.constant 8 : i32
      %add3A_299 = arith.constant 4 : i32
      %add3A_300 = arith.addi %add3A_278, %add3A_299 : i32
      %lt3A_301 = arith.cmpi slt, %add3A_300, %add3A_8 : i32
      %convert_element_type3A_302 = arith.extui %lt3A_301 : i1 to i32
      %cond3A_303 = arith.constant 0 : i32
      %cond3A_304 = arith.cmpi ne, %convert_element_type3A_302, %cond3A_303 : i32
      scf.if %cond3A_304 {
        %add3A_305 = arith.addi %add3A_4, %add3A_278 : i32
        %add3A_306 = arith.constant 4 : i32
        %add3A_307 = arith.addi %add3A_305, %add3A_306 : i32
        %mul3A_308 = arith.constant 256 : i32
        %mul3A_309 = arith.muli %add3A_307, %mul3A_308 : i32
        %multiple_of3A_310 = tpu.assume_multiple %mul3A_309, 256 : i32
        %dma_start3A_311 = arith.constant 0 : i32
        %dma_start3A_312 = tpu.memref_slice %arg4[%dma_start3A_311, %multiple_of3A_310] : memref<64x1000000xf32, #tpu.memory_space<hbm>> -> memref<64x256xf32, #tpu.memory_space<hbm>>
        %dma_start3A_313 = arith.constant 0 : i32
        %dma_start3A_314 = tpu.memref_slice %arg4[%dma_start3A_313, %multiple_of3A_310] : memref<64x1000000xf32, #tpu.memory_space<hbm>> -> memref<64x256xf32, #tpu.memory_space<hbm>>
        tpu.enqueue_dma source(%dma_start3A_314 : memref<64x256xf32, #tpu.memory_space<hbm>>) target(%arg14 : memref<64x256xf32, #tpu.memory_space<vmem>>) target_semaphore(%arg19 : memref<!tpu.dma_semaphore, #tpu.memory_space<semaphore_mem>>)
      } else {
      }
      scf.yield %scan3A_297#0, %scan3A_297#1 : i32, i32
    }
    %scan3A_160 = arith.constant 16 : i32
    "tpu.region"() ({
      %run_scoped3A = tpu.sem_alloc : memref<!tpu.dma_semaphore, #tpu.memory_space<semaphore_mem>>
      %dma_start3A_176 = arith.constant 0 : i32
      %dma_start3A_177 = arith.constant 0 : i32
      %dma_start3A_178 = tpu.memref_slice %arg11[%dma_start3A_176, %dma_start3A_177] : memref<64x256xf32, #tpu.memory_space<vmem>> -> memref<64x128xf32, #tpu.memory_space<vmem>>
      %dma_start3A_179 = arith.constant 0 : i32
      %dma_start3A_180 = arith.constant 0 : i32
      %dma_start3A_181 = tpu.memref_slice %arg11[%dma_start3A_179, %dma_start3A_180] : memref<64x256xf32, #tpu.memory_space<vmem>> -> memref<64x128xf32, #tpu.memory_space<vmem>>
      tpu.enqueue_dma source(%arg5 : memref<64x128xf32, #tpu.memory_space<hbm>>) target(%dma_start3A_181 : memref<64x128xf32, #tpu.memory_space<vmem>>) target_semaphore(%run_scoped3A : memref<!tpu.dma_semaphore, #tpu.memory_space<semaphore_mem>>)
      %dma_wait3A_182 = arith.constant 0 : i32
      %dma_wait3A_183 = arith.constant 0 : i32
      %dma_wait3A_184 = tpu.memref_slice %arg11[%dma_wait3A_182, %dma_wait3A_183] : memref<64x256xf32, #tpu.memory_space<vmem>> -> memref<64x128xf32, #tpu.memory_space<vmem>>
      %dma_wait3A_185 = arith.constant 0 : i32
      %dma_wait3A_186 = arith.constant 0 : i32
      %dma_wait3A_187 = tpu.memref_slice %arg11[%dma_wait3A_185, %dma_wait3A_186] : memref<64x256xf32, #tpu.memory_space<vmem>> -> memref<64x128xf32, #tpu.memory_space<vmem>>
      tpu.wait_dma2 semaphore(%run_scoped3A : memref<!tpu.dma_semaphore, #tpu.memory_space<semaphore_mem>>) src(%arg5 : memref<64x128xf32, #tpu.memory_space<hbm>>) dst(%dma_wait3A_187 : memref<64x128xf32, #tpu.memory_space<vmem>>)
      tpu.yield
    }) : () -> ()
    %scan3A_161 = arith.constant 999936 : i32
    %scan3A_162 = arith.constant 128 : i32
    %scan3A_163 = arith.constant true
    %scan3A_164 = arith.constant 0 : i32
    %scan3A_165 = arith.constant 8 : i32
    %scan3A_166 = arith.addi %scan3A_164, %scan3A_165 : i32
    %scan3A_167 = arith.constant 1 : i32
    %scan3A_168:3 = scf.for %scan3A_176 = %scan3A_164 to %scan3A_166 step %scan3A_167 iter_args(%scan3A_177 = %scan3A_159#0, %scan3A_178 = %scan3A_159#1, %scan3A_179 = %scan3A_163) -> (i32, i32, i1)  : i32 {
      %mul3A_180 = arith.constant 16 : i32
      %mul3A_181 = arith.muli %scan3A_177, %mul3A_180 : i32
      %multiple_of3A_182 = tpu.assume_multiple %mul3A_181, 16 : i32
      %get3A = arith.index_cast %multiple_of3A_182 : i32 to index
      %get3A_183 = tpu.vector_load %arg8[%get3A] {strides = array<i32>} : memref<712xi32, #tpu.memory_space<vmem>>, vector<16xi32>,
      %get3A_184 = arith.index_cast %multiple_of3A_182 : i32 to index
      %get3A_185 = tpu.vector_load %arg9[%get3A_184] {strides = array<i32>} : memref<712xi32, #tpu.memory_space<vmem>>, vector<16xi32>,
      %add3A_186 = arith.addi %scan3A_161, %scan3A_162 : i32
      %lt3A_187 = vector.broadcast %add3A_186 : i32 to vector<16xi32>
      %lt3A_188 = arith.cmpi slt, %get3A_183, %lt3A_187 : vector<16xi32>
      %ge3A = vector.broadcast %scan3A_161 : i32 to vector<16xi32>
      %ge3A_189 = arith.cmpi sge, %get3A_183, %ge3A : vector<16xi32>
      %and3A_190 = arith.andi %ge3A_189, %lt3A_188 : vector<16xi1>
      %and3A_191 = vector.broadcast %scan3A_179 : i1 to vector<16xi1>
      %and3A_192 = arith.andi %and3A_190, %and3A_191 : vector<16xi1>
      %convert_element_type3A = arith.extui %and3A_192 : vector<16xi1> to vector<16xi32>
      %reduce_sum3A = arith.constant true
      %reduce_sum3A_193 = vector.broadcast %reduce_sum3A : i1 to vector<16xi1>
      %reduce_sum3A_194 = tpu.scan <sum>, %convert_element_type3A masked %reduce_sum3A_193 : vector<16xi32>, vector<16xi1> -> vector<16xi32>
      %reduce_sum3A_195 = vector.extract %reduce_sum3A_194[15] : i32 from vector<16xi32>
      %broadcast_in_dim3A_196 = arith.constant true
      %broadcast_in_dim3A_197 = vector.broadcast %broadcast_in_dim3A_196 : i1 to vector<16xi1>
      %masked_cumsum3A = tpu.scan <sum>, %convert_element_type3A masked %broadcast_in_dim3A_197 : vector<16xi32>, vector<16xi1> -> vector<16xi32>
      %sub3A_198 = arith.constant 1 : i32
      %sub3A_199 = vector.broadcast %sub3A_198 : i32 to vector<16xi32>
      %sub3A_200 = arith.subi %masked_cumsum3A, %sub3A_199 : vector<16xi32>
      %add3A_201 = vector.broadcast %scan3A_178 : i32 to vector<16xi32>
      %add3A_202 = arith.addi %add3A_201, %sub3A_200 : vector<16xi32>
      %min3A_203 = arith.constant 351 : i32
      %min3A_204 = vector.broadcast %min3A_203 : i32 to vector<16xi32>
      %min3A_205 = arith.minsi %add3A_202, %min3A_204 : vector<16xi32>
      %sub3A_206 = vector.broadcast %scan3A_161 : i32 to vector<16xi32>
      %sub3A_207 = arith.subi %get3A_183, %sub3A_206 : vector<16xi32>
      %gt3A = arith.constant 0 : i32
      %gt3A_208 = arith.cmpi sgt, %reduce_sum3A_195, %gt3A : i32
      %convert_element_type3A_209 = arith.extui %gt3A_208 : i1 to i32
      %cond3A = arith.constant 0 : i32
      %cond3A_210 = arith.cmpi ne, %convert_element_type3A_209, %cond3A : i32
      scf.if %cond3A_210 {
        tpu.vector_store_idx %arg10[%min3A_205], %get3A_185 masked %and3A_192 : memref<352xi32, #tpu.memory_space<vmem>>[vector<16xi32>], vector<16xi32>, vector<16xi1>
        %scan3A_224 = arith.constant 0 : i32
        %scan3A_225 = arith.constant 0 : i32
        %scan3A_226 = arith.constant 64 : i32
        %scan3A_227 = arith.addi %scan3A_225, %scan3A_226 : i32
        %scan3A_228 = arith.constant 1 : i32
        scf.for %scan3A_230 = %scan3A_225 to %scan3A_227 step %scan3A_228  : i32 {
          %add3A_231 = vector.broadcast %scan3A_230 : i32 to vector<16xi32>
          %add3A_232 = arith.addi %broadcast_in_dim3A_11, %add3A_231 : vector<16xi32>
          %gather3A = tpu.vector_load_idx %arg11[%add3A_232, %sub3A_207] masked %and3A_192 : memref<64x256xf32, #tpu.memory_space<vmem>>[vector<16xi32>, vector<16xi32>], vector<16xf32>, vector<16xi1>
          %add3A_233 = vector.broadcast %scan3A_230 : i32 to vector<16xi32>
          %add3A_234 = arith.addi %broadcast_in_dim3A_11, %add3A_233 : vector<16xi32>
          tpu.vector_store_idx %arg15[%min3A_205, %add3A_234], %gather3A masked %and3A_192 : memref<352x128xf32, #tpu.memory_space<vmem>>[vector<16xi32>, vector<16xi32>], vector<16xf32>, vector<16xi1>
        }
        %scan3A_229 = arith.constant 64 : i32
      } else {
      }
      %convert_element_type3A_211 = arith.extui %lt3A_188 : vector<16xi1> to vector<16xi32>
      %reduce_sum3A_212 = arith.constant true
      %reduce_sum3A_213 = vector.broadcast %reduce_sum3A_212 : i1 to vector<16xi1>
      %reduce_sum3A_214 = tpu.scan <sum>, %convert_element_type3A_211 masked %reduce_sum3A_213 : vector<16xi32>, vector<16xi1> -> vector<16xi32>
      %reduce_sum3A_215 = vector.extract %reduce_sum3A_214[15] : i32 from vector<16xi32>
      %eq3A = arith.constant 16 : i32
      %eq3A_216 = arith.cmpi eq, %reduce_sum3A_215, %eq3A : i32
      %and3A_217 = arith.andi %scan3A_179, %eq3A_216 : i1
      %add3A_218 = arith.constant 1 : i32
      %add3A_219 = arith.addi %scan3A_177, %add3A_218 : i32
      %min3A_220 = arith.constant 42 : i32
      %min3A_221 = arith.minsi %add3A_219, %min3A_220 : i32
      %select_n3A_222 = arith.select %and3A_217, %min3A_221, %scan3A_177 : i32
      %add3A_223 = arith.addi %scan3A_178, %reduce_sum3A_195 : i32
      scf.yield %select_n3A_222, %add3A_223, %and3A_217 : i32, i32, i1
    }
    %scan3A_169 = arith.constant 8 : i32
    %dma_start3A_170 = arith.constant 0 : i32
    %dma_start3A_171 = arith.constant 0 : i32
    %dma_start3A_172 = tpu.memref_slice %arg6[%dma_start3A_170, %dma_start3A_171] : memref<16416x128xf32, #tpu.memory_space<hbm>> -> memref<16416x128xf32, #tpu.memory_space<hbm>>
    tpu.enqueue_indirect_dma source(%arg15 : memref<352x128xf32, #tpu.memory_space<vmem>>) target(%dma_start3A_172 : memref<16416x128xf32, #tpu.memory_space<hbm>>) offsets(%arg10 : memref<352xi32, #tpu.memory_space<vmem>>) semaphore(%arg16 : memref<!tpu.dma_semaphore, #tpu.memory_space<semaphore_mem>>)
    %dma_wait3A_173 = arith.constant 0 : i32
    %dma_wait3A_174 = arith.constant 0 : i32
    %dma_wait3A_175 = tpu.memref_slice %arg6[%dma_wait3A_173, %dma_wait3A_174] : memref<16416x128xf32, #tpu.memory_space<hbm>> -> memref<16416x128xf32, #tpu.memory_space<hbm>>
    tpu.wait_indirect_dma semaphore(%arg16 : memref<!tpu.dma_semaphore, #tpu.memory_space<semaphore_mem>>) src(%arg15 : memref<352x128xf32, #tpu.memory_space<vmem>>) dst(%dma_wait3A_175 : memref<16416x128xf32, #tpu.memory_space<hbm>>)
    return
  }
}

</mosaic_0001>

<sc_bundles>
// kernel: kernel.3.cloned.1.call-start
scs
__scs_entry_jumppad:
0x0: {  	(pc) =	sbr.rel $0x88, $3  }
0x1: {  	(tag) =	ssettag $0x0;
	lr =	simm.s32 $0x1  }
0x2: {  	[smem:$0x3F9F] =	sst lr;
	_ =	strace $0xD0000000  }
0x3: {  	_ = 	snop  }
0x4: {  	_ = 	snop  }
0x5: {  	_ = 	snop  }
0x6: {  	_ = 	snop  }
0x7: {  	_ = 	snop  }
__scs_overlays_trampoline_lowered:
0x8: {  	[smem:$0x3FAE] =	sst s0  }
0x9: {  	[smem:$0x3FAF] =	sst s1  }
0xa: {  	[smem:$0x3FB0] =	sst s2  }
0xb: {  	[smem:$0x3FB1] =	sst s3  }
0xc: {  	[smem:$0x3FB2] =	sst s4  }
0xd: {  	[smem:$0x3FB3] =	sst s5  }
0xe: {  	[smem:$0x3FB4] =	sst s6  }
0xf: {  	[smem:$0x3FB5] =	sst s7  }
0x10: {  	[smem:$0x3FB6] =	sst s8  }
0x11: {  	[smem:$0x3FB7] =	sst s9;
	s0 =	simm.s32 @!p0 $0x0  }
0x12: {  	s1 =	sld [smem:$0x3F9D];
	s0 =	simm.s32 @p0 $0x1  }
0x13: {  	[smem:$0x3FB8] =	sst s0;
	s0 =	simm.s32 @!p1 $0x0  }
0x14: {  	s2 =	sld [smem:$0x3F9C];
	s0 =	simm.s32 @p1 $0x1  }
0x15: {  	[smem:$0x3FB9] =	sst s0;
	s0 =	simm.s32 @!p2 $0x0  }
0x16: {  	s3 =	sld [smem:$0x3FDB];
	s0 =	simm.s32 @p2 $0x1  }
0x17: {  	s4 =	simm.s32 $0x1BF5;
	[smem:$0x3FBB] =	sst s0  }
0x18: {  	s0 =	sld [smem:$0x3F9E];
	_ =	swait.ge [sflag:s4], $0x0  }
0x19: {  	s7 =	sld [smem:$0x3F9F]  }
0x1a: {  	s8 =	sadd.s32 $0xFFFFE003, lr  }
0x1b: {  	s9 =	sadd.s32 $0xFFFFFEF7, lr;
	s5 =	simm.s32 $0xFFFFFFFF;
	p2 =	slt.u32 s8, $0xFFFFF086  }
0x1c: {  	p1 =	slt.u32 s9, $0xF7A;
	s5 =	simm.s32 @!p2 $0x0  }
0x1d: {  	s5 =	simm.s32 @p1 $0x1;
	p0 =	seq.s32 s7, s2  }
0x1e: {  	s7 =	smul.u32 @!p0 $0xF7A, s2;
	p2 =	seq.s32 @!p0 s5, $0x0  }
0x1f: {  	s9 =	smul.u32 $0xF7A, s1;
	s8 =	simm.s32 @!p0 $0x1BF5;
	p2 =	por !p2, p0  }
0x20: {  	[sflag:s8] =	ssyncset.s32 @!p0 $0xFFFFF086;
	s6 =	sadd.s32 @!p0 s3, s7;
	s7 =	simm.s32 @!p0 $0x108  }
0x21: {  	s3 =	sadd.s32 s3, s9;
	s6 =	sadd.s32 @!p0 $0x88, s6;
	s7 =	simm.s32 @p2 $0x1082  }
0x22: {  	[simem:s7], [sflag:s8] =	dma.local @!p0 [hbm:s6], $0xF7A  }
0x23: {  	s9 =	sor.u32 $0xD0000000, s2;
	s6 =	simm.s32 $0x108;
	_ =	swait.ge @!p0 [sflag:s8], $0x0  }
0x24: {  	s3 =	sadd.s32 $0x88, s3;
	s6 =	simm.s32 @!p1 $0x1082;
	[sflag:s4] =	ssyncset.s32 $0xFFFFF086  }
0x25: {  	[simem:s6], [sflag:s4] =	dma.local [hbm:s3], $0xF7A  }
0x26: {  	[smem:$0x3F9F] =	sst s1;
	(tag) =	ssettag s2;
	_ =	strace s9  }
0x27: {  	s1 =	sld [smem:$0x3FAF]  }
0x28: {  	s2 =	sld [smem:$0x3FB0]  }
0x29: {  	s4 =	sld [smem:$0x3FB2]  }
0x2a: {  	p0 =	seq.s32 s5, $0x0;
	s5 =	sld [smem:$0x3FB3]  }
0x2b: {  	s6 =	sld [smem:$0x3FB4]  }
0x2c: {  	s7 =	sld [smem:$0x3FB5]  }
0x2d: {  	s3 =	simm.s32 $0x108;
	s8 =	sld [smem:$0x3FB6]  }
0x2e: {  	s3 =	simm.s32 @!p0 $0x1082;
	s9 =	sld [smem:$0x3FB7]  }
0x2f: {  	lr =	sadd.s32 s0, s3;
	s0 =	sld [smem:$0x3FAE]  }
0x30: {  	s3 =	sld [smem:$0x3FB1]  }
0x31: {  	[smem:$0x3FBA] =	sst s10  }
0x32: {  	s10 =	sld [smem:$0x3FB8];
	_ =	sdelay $0x3  }
0x33: {  	p0 =	seq.s32 s10, $0x1;
	s10 =	sld [smem:$0x3FBA];
	_ =	sdelay $0x3  }
0x34: {  	[smem:$0x3FBA] =	sst s10  }
0x35: {  	s10 =	sld [smem:$0x3FB9];
	_ =	sdelay $0x3  }
0x36: {  	p1 =	seq.s32 s10, $0x1;
	s10 =	sld [smem:$0x3FBA];
	_ =	sdelay $0x3  }
0x37: {  	[smem:$0x3FBA] =	sst s10  }
0x38: {  	s10 =	sld [smem:$0x3FBB]  }
0x39: {  	_ = 	snop;
	(pc) =	sbr.ind lr, $3  }
0x3a: {  	_ = 	snop  }
0x3b: {  	_ = 	snop  }
0x3c: {  	p2 =	seq.s32 s10, $0x1;
	s10 =	sld [smem:$0x3FBA]  }
0x3d: {  	_ =	shalt  }
0x3e: {  	_ =	shalt  }
0x3f: {  	_ =	shalt  }
0x40: {  	_ =	shalt  }
0x41: {  	_ =	shalt  }
0x42: {  	_ =	shalt  }
0x43: {  	_ =	shalt  }
0x44: {  	_ =	shalt  }
0x45: {  	_ =	shalt  }
0x46: {  	_ =	shalt  }
0x47: {  	_ =	shalt  }
0x48: {  	_ =	shalt  }
0x49: {  	_ =	shalt  }
0x4a: {  	_ =	shalt  }
0x4b: {  	_ =	shalt  }
0x4c: {  	_ =	shalt  }
0x4d: {  	_ =	shalt  }
0x4e: {  	_ =	shalt  }
0x4f: {  	_ =	shalt  }
0x50: {  	_ =	shalt  }
0x51: {  	_ =	shalt  }
0x52: {  	_ =	shalt  }
0x53: {  	_ =	shalt  }
0x54: {  	_ =	shalt  }
0x55: {  	_ =	shalt  }
0x56: {  	_ =	shalt  }
0x57: {  	_ =	shalt  }
0x58: {  	_ =	shalt  }
0x59: {  	_ =	shalt  }
0x5a: {  	_ =	shalt  }
0x5b: {  	_ =	shalt  }
0x5c: {  	_ =	shalt  }
0x5d: {  	_ =	shalt  }
0x5e: {  	_ =	shalt  }
0x5f: {  	_ =	shalt  }
0x60: {  	_ =	shalt  }
0x61: {  	_ =	shalt  }
0x62: {  	_ =	shalt  }
0x63: {  	_ =	shalt  }
0x64: {  	_ =	shalt  }
0x65: {  	_ =	shalt  }
0x66: {  	_ =	shalt  }
0x67: {  	_ =	shalt  }
0x68: {  	_ =	shalt  }
0x69: {  	_ =	shalt  }
0x6a: {  	_ =	shalt  }
0x6b: {  	_ =	shalt  }
0x6c: {  	_ =	shalt  }
0x6d: {  	_ =	shalt  }
0x6e: {  	_ =	shalt  }
0x6f: {  	_ =	shalt  }
0x70: {  	_ =	shalt  }
0x71: {  	_ =	shalt  }
0x72: {  	_ =	shalt  }
0x73: {  	_ =	shalt  }
0x74: {  	_ =	shalt  }
0x75: {  	_ =	shalt  }
0x76: {  	_ =	shalt  }
0x77: {  	_ =	shalt  }
0x78: {  	_ =	shalt  }
0x79: {  	_ =	shalt  }
0x7a: {  	_ =	shalt  }
0x7b: {  	_ =	shalt  }
0x7c: {  	_ =	shalt  }
0x7d: {  	_ =	shalt  }
0x7e: {  	_ =	shalt  }
0x7f: {  	_ =	shalt  }
0x80: {  	_ =	shalt  }
0x81: {  	_ =	shalt  }
0x82: {  	_ =	shalt  }
0x83: {  	_ =	shalt  }
0x84: {  	_ =	shalt  }
0x85: {  	_ =	shalt  }
0x86: {  	_ =	shalt  }
0x87: {  	_ =	shalt  }
.Lfunc_end0:
.L_simem_size_0:
called_computation_lowered:
.L_overlay_start_0:
0x88: {  	s2 =	sld [smem:$0x3FD9]  }
0x89: {  	s3 =	sld [smem:$0x3FFE];
	_ =	sdelay $0x1  }
0x8a: {  	s1 =	srdreg.scid  }
0x8b: {  	s0 =	sand.u32 $0x1, s1  }
0x8c: {  	s17 =	sshll.u32 s0, $0xA;
	s2 =	sadd.s32 s3, s2  }
0x8d: {  	s2 =	sadd.s32 s2, s17  }
0x8e: {  	[smem:$0x3FC6] =	sst s2  }
0x8f: {  	_ = 	snop  }
0x90: {  	s2 =	sld [smem:$0x3FC8]  }
0x91: {  	s18 =	sld [smem:$0x3FD0];
	(tm) =	ssettm $0x1  }
0x92: {  	s4 =	sld [smem:$0x3FFB];
	_ =	sdelay $0x3  }
0x93: {  	_ =	strace s4  }
0x94: {  	s4 =	sld [smem:$0x3FFC];
	_ =	sdelay $0x3  }
0x95: {  	_ =	strace s4  }
0x96: {  	s4 =	sld [smem:$0x3FFD];
	_ =	sdelay $0x3  }
0x97: {  	_ =	strace s4  }
0x98: {  	_ =	strace $0x8FFFFFFF  }
0x99: {  	s19 =	sld [smem:$0x3FDB];
	_ =	sdelay $0x1  }
0x9a: {  	s5 =	simm.s32 $_scs_section_size  }
0x9b: {  	s6 =	simm.s32 $_size__tile_overlayer_lowered;
	s7 =	simm.s32 $_tile_overlayer_lowered  }
0x9c: {  	s22 =	simm.s32 $0x1BFF;
	s21 =	sshll.u32 s7, $0x1;
	s4 =	sadd.s32 s5, s19  }
0x9d: {  	s8 =	simm.s32 $0x0;
	s20 =	sshll.u32 s6, $0x1;
	s6 =	sadd.s32 s21, s4  }
0x9e: {  	[timem:s8], [sflag:s22] =	dma.local [hbm:s6], s20  }
0x9f: {  	_ =	swait.ge [sflag:s22], s20  }
0xa0: {  	s5 =	ssub.s32 $0x0, s20;
	[sflag:s22] =	ssyncset.done $0x0  }
0xa1: {  	[sflag:s22] =	ssyncadd.s32 s5;
	_ =	sdelay $0x1  }
0xa2: {  	s23 =	simm.s32 $0x1B8B  }
0xa3: {  	_ =	swait.ge [sflag:s23], $0x1  }
0xa4: {  	[sflag:s23] =	ssyncset.done $0x0  }
0xa5: {  	s25 =	simm.s32 $0x1B8E;
	s24 =	sld [smem:$0x3FFE];
	[sflag:s23] =	ssyncadd.s32 $0xFFFFFFFF  }
0xa6: {  	s26 =	simm.s32 $execute0_lowered;
	[smem:$0x3FD2] =	sst s25  }
0xa7: {  	s6 =	sshll.u32 s26, $0x1;
	_ =	strace $0x80000046;
	[dreg:$0x1] =	wrdreg $0xFFFFFFFF  }
0xa8: {  	s28 =	simm.s32 $_size_execute0_lowered;
	s4 =	sadd.s32 s4, s6;
	[dreg:$0x0] =	wrdreg $0x0  }
0xa9: {  	s6 =	sshll.u32 s28, $0x1;
	[dreg:$0x2] =	wrdreg s4  }
0xaa: {  	[dreg:$0x3] =	wrdreg s6  }
0xab: {  	[dreg:$0x4] =	wrdreg $0xC0  }
0xac: {  	_ =	task [dreg:s8], $0x5FFFF  }
0xad: {  	[dreg:$0x1] =	wrdreg $0xFFFFFFFF  }
0xae: {  	[dreg:$0x0] =	wrdreg $0x60  }
0xaf: {  	[dreg:$0x2] =	wrdreg s18  }
0xb0: {  	[dreg:$0x3] =	wrdreg s24  }
0xb1: {  	[dreg:$0x4] =	wrdreg s2  }
0xb2: {  	[dreg:$0x5] =	wrdreg $0x9  }
0xb3: {  	_ =	task.clear_ibuf [dreg:s8], $0x6FFFF;
	_ =	strace $0x90000046  }
0xb4: {  	s29 =	simm.s32 $0x9;
	_ =	strace $0x80000048  }
0xb5: {  	_ =	swait.ge [sflag:s29], $0x1  }
0xb6: {  	[sflag:s29] =	ssyncadd.s32 $0xFFFFFFFF  }
0xb7: {  	_ =	strace $0x90000048  }
0xb8: {  	_ =	sfence  }
0xb9: {  	s30 =	sld [smem:$0x0];
	_ =	sdelay $0x2  }
0xba: {  	s31 =	sshll.u32 s1, $0xD;
	s1 =	sshrl.u32 s1, $0x2  }
0xbb: {  	s3 =	sand.u32 $0x4000, s31;
	s1 =	sadd.s32 s1, s30  }
0xbc: {  	s0 =	sor.u32 s3, s0;
	s1 =	sshll.u32 s1, $0x11  }
0xbd: {  	s0 =	sor.u32 s1, s0  }
0xbe: {  	s0 =	sadd.s32 $0x8F2B, s0  }
0xbf: {  	[sflag:s0] =	ssyncadd.remote.s32 $0x1  }
0xc0: {  	_ =	sfence.sel $0xFFFF  }
0xc1: {  	[dreg:$0x0] =	wrdreg $0xFFFFFFFF;
	(pc) =	sbr.abs _section_cstart, $3  }
0xc2: {  	[dreg:$0x1] =	wrdreg $0xFFFFFFFF  }
0xc3: {  	_ =	task.clear_ibuf [dreg:s8], $0x2FFFF;
	_ =	strace $0x9FFFFFFF  }
0xc4: {  	(tm) =	ssettm $0x7FFFFFFF  }
0xc5: {  	_ =	shalt  }
tec
execute0_lowered:
.L_overlay_start_1:
0x0: {  	(tag) =	ssettag $0x1  }
0x1: {  	s1 =	rddreg [dreg:$0x0]  }
0x2: {  	s10 =	rddreg [dreg:$0x1]  }
0x3: {  	s0 =	rddreg [dreg:$0x2];
	s2 =	srdreg.scid  }
0x4: {  	s8 =	stileid.u32;
	s4 =	simm.s32 $0x0;
	s11 =	simm.s32 $0x4F80  }
0x5: {  	s12 =	simm.s32 $0x8F80;
	s2 =	sand.u32 $0x1, s2;
	s3 =	sshll.u32 s8, $0x1  }
0x6: {  	[smem:$0x7FF] =	sst s4;
	s6 =	sadd.s32 $0x400, s10;
	s7 =	sadd.s32 $0xE00, s10  }
0x7: {  	p0 =	seq.s32 s8, $0x0;
	s8 =	simm.s32 $0x7B;
	s13 =	sadd.s32 $0x400, s0  }
0x8: {  	s24 =	sadd.s32 $0x80, s10;
	_ =	strace $0x80000047;
	[dreg:$0x4] =	wrdreg s6  }
0x9: {  	s25 =	sadd.s32 $0x100, s10;
	s26 =	sadd.s32 $0x180, s10;
	[dreg:$0x5] =	wrdreg s7  }
0xa: {  	s28 =	sadd.s32 $0x200, s10;
	s29 =	sadd.s32 $0x280, s10;
	[dreg:$0xf] =	wrdreg s24  }
0xb: {  	s30 =	sadd.s32 $0x300, s10;
	s31 =	sadd.s32 $0x380, s10;
	[dreg:$0x10] =	wrdreg s25  }
0xc: {  	s10 =	simm.s32 $0xF80;
	s3 =	sor.u32 s2, s3;
	[dreg:$0x11] =	wrdreg s26  }
0xd: {  	s2 =	ssub.s32 $0x2, s2;
	[dreg:$0x12] =	wrdreg s28;
	s5 =	smul.u32 $0x7A, s3  }
0xe: {  	[dreg:$0x13] =	wrdreg s29;
	s14 =	smin.u32 s3, $0x2;
	s9 =	sshrl.u32 s2, $0x1  }
0xf: {  	[dreg:$0x14] =	wrdreg s30;
	s2 =	ssub.s32 s2, s9;
	s7 =	sadd.s32 s14, s5  }
0x10: {  	[dreg:$0x15] =	wrdreg s31;
	s23 =	smax.u32 s2, $0x1;
	s6 =	sshll.u32 s7, $0x8  }
0x11: {  	s8 =	simm.s32 @!p0 $0x7A;
	[dreg:$0xe] =	wrdreg s23;
	s15 =	sadd.s32 s0, s6  }
0x12: {  	s9 =	sor.u32 $0x4000, s3;
	s16 =	sadd.s32 $0x100, s15;
	[dreg:$0x6] =	wrdreg s15  }
0x13: {  	s3 =	simm.s32 $0x1;
	s17 =	sadd.s32 $0x200, s15;
	[dreg:$0x7] =	wrdreg s16  }
0x14: {  	s2 =	simm.s32 $0x800;
	s18 =	sadd.s32 $0x300, s15;
	[dreg:$0x8] =	wrdreg s17  }
0x15: {  	s5 =	simm.s32 $0x7A1400;
	s19 =	sadd.s32 $0x3D00, s15;
	[dreg:$0x9] =	wrdreg s18  }
0x16: {  	s14 =	simm.s32 $0xCF80;
	s20 =	sadd.s32 $0x3E00, s15;
	[dreg:$0xa] =	wrdreg s19  }
.Ltmp0:
0x17: {  	s21 =	sadd.s32 $0x3F00, s15;
	[dreg:$0xb] =	wrdreg s20;
	(pc) =	sbr.rel .LBB2_1-.Ltmp0, $4  }
0x18: {  	s23 =	sadd.s32 $0x3D, s7;
	s22 =	sadd.s32 $0x4000, s15;
	[dreg:$0xc] =	wrdreg s21  }
0x19: {  	s0 =	simm.s32 $0x5;
	s15 =	simm.s32 $0xE00;
	[dreg:$0xd] =	wrdreg s22  }
0x1a: {  	v2 =	vimm.s32 $0x0;
	s18 =	sadd.s32 $0xFFFFFFBF, s8;
	s19 =	sadd.s32 $0xFFFFFFBE, s8;
	s20 =	sadd.s32 $0xFFFFFFBD, s8  }
0x1b: {  	vm0 =	vmxor vm0, vm0;
	v1 =	vmov s9;
	v0 =	vmov s6;
	s21 =	sadd.s32 $0xFFFFFFBC, s8;
	s16 =	simm.s32 $0x10F80;
	s17 =	simm.s32 $0x2  }
.LBB2_66:
0x1c: {  	s6 =	rddreg [dreg:$0x5];
	s9 =	simm.s32 $0x160  }
0x1d: {  	[hbm4b:s6+s9] =	stream.indirect.scatter [tilespmem:s16], [sflag:$0x1], $0x80, s15, s9, $0xb8;
	[tilespmem:$0x1BF80] =	vst v63  }
0x1e: {  	_ =	swait.ge [sflag:s3], $0xB000  }
0x1f: {  	s4 =	sadd.s32 $0x1, s4;
	s31 =	rddreg [dreg:$0xe]  }
0x20: {  	p0 =	sne.s32 s4, s31  }
.Ltmp1:
0x21: {  	_ = 	snop;
	(pc) =	sbr.rel @!p0 .LBB2_67-.Ltmp1, $3  }
0x22: {  	_ =	sdelay $0x1  }
0x23: {  	[sflag:s3] =	ssyncset.done $0x0  }
0x24: {  	[sflag:s3] =	ssyncadd.s32 $0xFFFF5000  }
.LBB2_1:
0x25: {  	s24 =	simm.s32 $0x0;
	s22 =	simm.s32 $0x0  }
.LBB2_2:
0x26: {  	s6 =	sshll.u32 s22, $0x8  }
0x27: {  	s9 =	simm.s32 $0x0;
	s6 =	sadd.s32 s1, s6  }
0x28: {  	[tilespmem:s9], [sflag:$0x5] =	stream.linear.gather [hbm4b:s6+s9], $0x800, $0x38;
	[tilespmem:$0x1BF80] =	vst v63  }
0x29: {  	_ =	swait.ge [sflag:s0], $0x800  }
0x2a: {  	[sflag:s0] =	ssyncset.done $0x0  }
0x2b: {  	s26 =	simm.s32 $0x0;
	[sflag:s0] =	ssyncadd.s32 $0xFFFFF800  }
0x2c: {  	v3 =	vld [tilespmem:s26+$0x0]  }
0x2d: {  	s28 =	simm.s32 $0x10  }
0x2e: {  	s29 =	simm.s32 $0x20;
	v4 =	vld [tilespmem:s28+$0x0]  }
0x2f: {  	v5 =	vld [tilespmem:s29+$0x0];
	_ =	sdelay $0x1  }
0x30: {  	vm1 =	vlt.s32 v3, v0  }
0x31: {  	v3 =	vsel vm1, $0x1, v2  }
0x32: {  	vm1 =	vlt.s32 v4, v0;
	(xrf0) =	vadd.scan.msk.s32 $0xffff, v3  }
0x33: {  	v3 =	vsel vm1, $0x1, v2;
	vm1 =	vlt.s32 v5, v0  }
0x34: {  	(xrf0) =	vadd.scan.msk.s32 $0xffff, v3;
	v3 =	vsel vm1, $0x1, v2  }
0x35: {  	s30 =	simm.s32 $0x30;
	(xrf0) =	vadd.scan.msk.s32 $0xffff, v3  }
0x36: {  	v4 =	vld [tilespmem:s30+$0x0];
	_ =	sdelay $0x1  }
0x37: {  	v3, _, _ =	vpop (xrf0)  }
0x38: {  	(v2sf) =	vpush v3, $0xF  }
0x39: {  	v3, _, _ =	vpop (xrf0)  }
0x3a: {  	vm1 =	vlt.s32 v4, v0;
	(v2sf) =	vpush v3, $0xF;
	v4, _, _ =	vpop (xrf0)  }
0x3b: {  	(v2sf) =	vpush v4, $0xF;
	_ =	sdelay $0x5  }
0x3c: {  	s31 =	simm.s32 $0x40;
	v3 =	vsel vm1, $0x1, v2  }
0x3d: {  	(xrf0) =	vadd.scan.msk.s32 $0xffff, v3;
	v3 =	vld [tilespmem:s31+$0x0];
	_ =	sdelay $0x1  }
0x3e: {  	s9 =	simm.s32 $0x140  }
.LBB2_3:
0x3f: {  	p0 =	sne.s32 s9, $0x1FC0  }
.Ltmp2:
0x40: {  	s6 =	sshra.s32 s9, $0x2;
	(pc) =	sbr.rel @p0 .LBB2_3-.Ltmp2, $4  }
0x41: {  	s9 =	sadd.s32 $0x40, s9;
	s25 =	spop (v2sf);
	vm1 =	vlt.s32 v3, v0  }
0x42: {  	s24 =	sadd.s32 s24, s25;
	v3 =	vld [tilespmem:s6+$0x0];
	v5 =	vsel vm1, $0x1, v2  }
0x43: {  	(xrf0) =	vadd.scan.msk.s32 $0xffff, v5;
	v4, _, _ =	vpop (xrf0)  }
0x44: {  	(v2sf) =	vpush v4, $0xF  }
0x45: {  	_ =	sdelay $0x1  }
0x46: {  	vm1 =	vlt.s32 v3, v0  }
0x47: {  	v3 =	vsel vm1, $0x1, v2  }
0x48: {  	(xrf0) =	vadd.scan.msk.s32 $0xffff, v3;
	_ =	sdelay $0x4  }
0x49: {  	v3, _, _ =	vpop (xrf0)  }
0x4a: {  	(v2sf) =	vpush v3, $0xF;
	v3, _, _ =	vpop (xrf0)  }
0x4b: {  	(v2sf) =	vpush v3, $0xF;
	_ =	sdelay $0x9  }
0x4c: {  	s22 =	sadd.s32 $0x1, s22  }
0x4d: {  	s6 =	spop (v2sf);
	p0 =	sne.s32 s22, $0x8  }
.Ltmp3:
0x4e: {  	s6 =	sadd.s32 s24, s6;
	s9 =	spop (v2sf);
	(pc) =	sbr.rel @p0 .LBB2_2-.Ltmp3, $4  }
0x4f: {  	s6 =	sadd.s32 s6, s9;
	s29 =	spop (v2sf)  }
0x50: {  	s6 =	sadd.s32 s6, s29;
	s30 =	spop (v2sf)  }
0x51: {  	s6 =	sadd.s32 s6, s30;
	s31 =	spop (v2sf)  }
0x52: {  	s24 =	sadd.s32 s6, s31  }
0x53: {  	s6 =	sand.u32 $0x7, s24  }
0x54: {  	s9 =	sshra.s32 s24, $0x1F;
	p0 =	slt.s32 s24, $0x1;
	p1 =	sne.s32 s6, $0x0  }
0x55: {  	s22 =	sshrl.u32 s9, $0x1D;
	p0 =	por !p0, !p1  }
0x56: {  	s9 =	simm.s32 $0x1;
	s6 =	sadd.s32 s22, s24;
	p0 =	por !p0, !p0  }
0x57: {  	s6 =	sshrl.u32 s6, $0x3;
	s9 =	simm.s32 @!p0 $0x0  }
0x58: {  	s6 =	ssub.s32 s6, s9  }
0x59: {  	s6 =	sand.u32 $0x1FFFFFFF, s6  }
0x5a: {  	s22 =	simm.s32 $0x0;
	s24 =	sadd.s32 s1, s6  }
0x5b: {  	[tilespmem:s2], [sflag:$0x5] =	stream.linear.gather [hbm4b:s24+s22], $0x2C8, $0x38;
	[tilespmem:$0x1BF80] =	vst v63  }
0x5c: {  	_ =	swait.ge [sflag:s0], $0x2C8  }
0x5d: {  	[sflag:s0] =	ssyncset.done $0x0;
	s25 =	rddreg [dreg:$0x4]  }
0x5e: {  	s26 =	simm.s32 $0xB00;
	[sflag:s0] =	ssyncadd.s32 $0xFFFFFD38;
	s6 =	sadd.s32 s25, s6  }
0x5f: {  	[tilespmem:s26], [sflag:$0x5] =	stream.linear.gather [hbm4b:s6+s22], $0x2C8, $0x38;
	[tilespmem:$0x1BF80] =	vst v63  }
0x60: {  	_ =	swait.ge [sflag:s0], $0x2C8  }
0x61: {  	[sflag:s0] =	ssyncset.done $0x0  }
0x62: {  	[sflag:s0] =	ssyncadd.s32 $0xFFFFFD38  }
0x63: {  	[tilespmem:$0xE00] =	vst v1  }
0x64: {  	[tilespmem:$0xE10] =	vst v1  }
0x65: {  	[tilespmem:$0xE20] =	vst v1  }
0x66: {  	[tilespmem:$0xE30] =	vst v1  }
0x67: {  	[tilespmem:$0xE40] =	vst v1  }
0x68: {  	[tilespmem:$0xE50] =	vst v1  }
0x69: {  	[tilespmem:$0xE60] =	vst v1  }
0x6a: {  	[tilespmem:$0xE70] =	vst v1  }
0x6b: {  	[tilespmem:$0xE80] =	vst v1  }
0x6c: {  	[tilespmem:$0xE90] =	vst v1  }
0x6d: {  	[tilespmem:$0xEA0] =	vst v1  }
0x6e: {  	[tilespmem:$0xEB0] =	vst v1  }
0x6f: {  	[tilespmem:$0xEC0] =	vst v1  }
0x70: {  	[tilespmem:$0xED0] =	vst v1  }
0x71: {  	[tilespmem:$0xEE0] =	vst v1  }
0x72: {  	[tilespmem:$0xEF0] =	vst v1  }
0x73: {  	[tilespmem:$0xF00] =	vst v1  }
0x74: {  	[tilespmem:$0xF10] =	vst v1  }
0x75: {  	[tilespmem:$0xF20] =	vst v1  }
0x76: {  	[tilespmem:$0xF30] =	vst v1  }
0x77: {  	[tilespmem:$0xF40] =	vst v1  }
0x78: {  	s28 =	rddreg [dreg:$0x6];
	[tilespmem:$0xF50] =	vst v1  }
0x79: {  	[tilespmem:s10], [sflag:$0x1] =	stream.strided.gather [hbm4b:s28+s2], $0x4000, s5, s2, $0x38;
	[tilespmem:$0x1BF80] =	vst v63  }
0x7a: {  	s29 =	rddreg [dreg:$0x7]  }
0x7b: {  	[tilespmem:s11], [sflag:$0x2] =	stream.strided.gather [hbm4b:s29+s2], $0x4000, s5, s2, $0x38;
	[tilespmem:$0x1BF80] =	vst v63  }
.Ltmp4:
0x7c: {  	_ = 	snop;
	(pc) =	sbr.rel .LBB2_6-.Ltmp4, $4  }
0x7d: {  	s30 =	rddreg [dreg:$0x8]  }
0x7e: {  	[tilespmem:s12], [sflag:$0x3] =	stream.strided.gather [hbm4b:s30+s2], $0x4000, s5, s2, $0x38;
	[tilespmem:$0x1BF80] =	vst v63  }
0x7f: {  	s24 =	simm.s32 $0x0;
	s25 =	simm.s32 $0x0;
	s31 =	rddreg [dreg:$0x9]  }
0x80: {  	[tilespmem:s14], [sflag:$0x4] =	stream.strided.gather [hbm4b:s31+s2], $0x4000, s5, s2, $0x38;
	[tilespmem:$0x1BF80] =	vst v63  }
.LBB2_33:
0x81: {  	s6 =	sadd.s32 @!p0 s26, s13;
	s9 =	simm.s32 @!p0 $0x800  }
0x82: {  	s26 =	simm.s32 @!p0 $0x7A1400;
	s28 =	simm.s32 @!p0 $0xCF80;
	s25 =	sadd.s32 $0x1, s25  }
0x83: {  	[tilespmem:s28], [sflag:$0x4] =	stream.strided.gather @!p0 [hbm4b:s6+s9], $0x4000, s26, s9, $0x38;
	[tilespmem:$0x1BF80] =	vst v63  }
0x84: {  	p0 =	sne.s32 s25, $0x10  }
.Ltmp5:
0x85: {  	_ = 	snop;
	(pc) =	sbr.rel @!p0 .LBB2_34-.Ltmp5, $1  }
0x86: {  	_ =	sdelay $0x3  }
.LBB2_6:
.Ltmp6:
0x87: {  	s26 =	sshll.u32 s25, $0x2;
	(pc) =	sbr.rel .LBB2_7-.Ltmp6, $4  }
0x88: {  	s6 =	sadd.s32 s7, s26  }
0x89: {  	_ =	swait.ge [sflag:s3], $0x4000;
	s28 =	sshll.u32 s6, $0x8  }
0x8a: {  	[sflag:s3] =	ssyncset.done $0x0;
	s6 =	sadd.s32 $0x100, s28  }
0x8b: {  	p0 =	por $0x1, $0x1;
	s29 =	simm.s32 $0x0;
	[sflag:s3] =	ssyncadd.s32 $0xFFFFC000;
	v4 =	vmov s28;
	v3 =	vmov s6  }
.LBB2_10:
0x8c: {  	_ =	sdelay $0x2  }
0x8d: {  	v12 =	vshll.u32 v11, $0x8  }
0x8e: {  	v61 =	vshll.u32 v11, $0x7;
	v12 =	vand.u32 $0x3800, v12  }
0x8f: {  	[tilespmem:v10+s16+$0x0] =	vst.idx.msk vm2, v8;
	v62 =	vand.u32 $0x380, v61;
	v5 =	vadd.s32 v5, v12  }
0x90: {  	v63 =	vadd.s32 s31, v7;
	v9 =	vld.idx.msk [tilespmem:v9+s10+$0x0], vm2;
	v5 =	vor.u32 v62, v5  }
0x91: {  	v5 =	vor.u32 v6, v5;
	_ =	sdelay $0x3  }
0x92: {  	[tilespmem:v63+s16+$0x0] =	vst.idx.msk vm2, v9  }
0x93: {  	v6 =	vadd.s32 s9, v7;
	v5 =	vld.idx.msk [tilespmem:v5+s10+$0x0], vm2;
	_ =	sdelay $0x4  }
0x94: {  	[tilespmem:v6+s16+$0x0] =	vst.idx.msk vm2, v5  }
.LBB2_11:
0x95: {  	v5 =	vsel vm1, $0x1, v2  }
0x96: {  	(xrf0) =	vadd.scan.msk.s32 $0xffff, v5;
	_ =	sdelay $0x5  }
0x97: {  	v5, _, _ =	vpop (xrf0)  }
0x98: {  	(v2sf) =	vpush v5, $0xF;
	_ =	sdelay $0xe  }
0x99: {  	s6 =	spop (v2sf)  }
0x9a: {  	p1 =	seq.s32 s6, $0x10;
	s6 =	sadd.s32 $0x1, s22  }
0x9b: {  	s29 =	sadd.s32 $0x1, s29;
	p0 =	por !p0, !p1;
	p1 =	slt.s32 s6, $0x2A  }
0x9c: {  	s6 =	simm.s32 @!p1 $0x2A;
	p1 =	sne.s32 s29, $0x8  }
.Ltmp7:
0x9d: {  	_ = 	snop;
	(pc) =	sbr.rel @!p1 .LBB2_12-.Ltmp7, $3  }
0x9e: {  	_ =	sdelay $0x1  }
0x9f: {  	p0 =	por !p0, !p0  }
0xa0: {  	s24 =	sadd.s32 s24, s30;
	s22 =	smov.u32 @p0 s6  }
.LBB2_7:
0xa1: {  	s9 =	sshll.u32 s22, $0x4  }
0xa2: {  	v6 =	vld [tilespmem:s9+$0x800];
	_ =	sdelay $0x3  }
0xa3: {  	vm2 =	vmmov vm0  }
0xa4: {  	vm2 =	vmneg @p0 vm2;
	vm3 =	vge.s32 v6, v4  }
0xa5: {  	vm1 =	vlt.s32 v6, v3;
	vm2 =	vmand vm2, vm3  }
0xa6: {  	vm2 =	vmand vm1, vm2  }
0xa7: {  	v5 =	vsel vm2, $0x1, v2  }
0xa8: {  	(xrf0) =	vadd.scan.msk.s32 $0xffff, v5;
	_ =	sdelay $0x5  }
0xa9: {  	v5, _, _ =	vpop (xrf0)  }
0xaa: {  	(v2sf) =	vpush v5, $0xF;
	_ =	sdelay $0xe  }
0xab: {  	s30 =	spop (v2sf)  }
0xac: {  	p1 =	slt.s32 s30, $0x1  }
.Ltmp8:
0xad: {  	_ = 	snop;
	(pc) =	sbr.rel @p1 .LBB2_11-.Ltmp8, $1  }
0xae: {  	_ =	sdelay $0x3  }
0xaf: {  	v7 =	vmov s24  }
0xb0: {  	v7 =	vadd.s32 $0xFFFFFFFF, v7  }
0xb1: {  	s6 =	simm.s32 $0x0;
	v7 =	vbroadcast v7, $0x0  }
0xb2: {  	v8 =	vsub.s32 v6, v4;
	v9 =	vmov s6  }
0xb3: {  	v7 =	vadd.s32 v7, v5;
	v5 =	vshll.u32 v8, $0x3;
	v8 =	vshll.u32 v9, $0x8  }
0xb4: {  	v9 =	vshll.u32 v9, $0x7;
	v5 =	vand.u32 $0xFFFFFC00, v5;
	v8 =	vand.u32 $0x3800, v8  }
0xb5: {  	vm3 =	vlt.s32 v7, $0x15F;
	v9 =	vand.u32 $0x380, v9;
	v8 =	vadd.s32 v5, v8  }
0xb6: {  	v10 =	vld [tilespmem:s9+$0xB00];
	v6 =	vand.u32 $0x7F, v6;
	v7 =	vnsel vm3, $0x15F, v7;
	v8 =	vor.u32 v9, v8  }
0xb7: {  	s31 =	simm.s32 $0x1;
	v8 =	vor.u32 v6, v8  }
0xb8: {  	v9 =	vmov s31  }
0xb9: {  	v11 =	vshll.u32 v9, $0x8  }
0xba: {  	v9 =	vshll.u32 v9, $0x7;
	v11 =	vand.u32 $0x3800, v11  }
0xbb: {  	v9 =	vand.u32 $0x380, v9;
	v11 =	vadd.s32 v5, v11;
	[tilespmem:v7+s15+$0x0] =	vst.idx.msk vm2, v10;
	v7 =	vshll.u32 v7, $0x7  }
0xbc: {  	v9 =	vor.u32 v9, v11;
	v10 =	vadd.s32 s6, v7;
	v8 =	vld.idx.msk [tilespmem:v8+s10+$0x0], vm2  }
0xbd: {  	v9 =	vor.u32 v6, v9  }
0xbe: {  	s9 =	simm.s32 $0x2  }
0xbf: {  	v11 =	vmov s9;
	s6 =	simm.s32 $0x3  }
.LBB2_9:
0xc0: {  	p1 =	sne.s32 s6, $0x3F;
	v12 =	vshll.u32 v11, $0x8  }
0xc1: {  	v11 =	vshll.u32 v11, $0x7;
	v12 =	vand.u32 $0x3800, v12;
	[tilespmem:v10+s16+$0x0] =	vst.idx.msk vm2, v8  }
.Ltmp9:
0xc2: {  	v11 =	vand.u32 $0x380, v11;
	v10 =	vadd.s32 v5, v12;
	v8 =	vld.idx.msk [tilespmem:v9+s10+$0x0], vm2;
	(pc) =	sbr.rel @p1 .LBB2_9-.Ltmp9, $3  }
0xc3: {  	v9 =	vor.u32 v11, v10;
	v10 =	vadd.s32 s31, v7;
	s31 =	smov.u32 s9;
	s9 =	smov.u32 s6  }
0xc4: {  	v9 =	vor.u32 v6, v9;
	_ =	sdelay $0x1  }
0xc5: {  	s6 =	sadd.s32 $0x1, s6;
	v11 =	vmov s9  }
.Ltmp10:
0xc6: {  	_ = 	snop;
	(pc) =	sbr.rel .LBB2_10-.Ltmp10, $1  }
0xc7: {  	_ =	sdelay $0x3  }
.LBB2_12:
0xc8: {  	p0 =	seq.s32 s25, $0xF  }
0xc9: {  	s6 =	sadd.s32 @!p0 s28, s13  }
0xca: {  	s9 =	simm.s32 @!p0 $0x800;
	s28 =	simm.s32 @!p0 $0x7A1400;
	s29 =	simm.s32 @!p0 $0xF80  }
0xcb: {  	[tilespmem:s29], [sflag:$0x1] =	stream.strided.gather @!p0 [hbm4b:s6+s9], $0x4000, s28, s9, $0x38;
	[tilespmem:$0x1BF80] =	vst v63  }
0xcc: {  	s6 =	sor.u32 @!p0 $0x1, s26  }
0xcd: {  	p1 =	slt.u32 @!p0 s6, $0x3D  }
0xce: {  	p1 =	por p0, !p1  }
.Ltmp11:
0xcf: {  	_ = 	snop;
	(pc) =	sbr.rel @p1 .LBB2_13-.Ltmp11, $1  }
0xd0: {  	_ =	sdelay $0x3  }
.Ltmp12:
0xd1: {  	(pc) =	sbr.rel .LBB2_15-.Ltmp12, $4  }
0xd2: {  	_ = 	snop  }
0xd3: {  	_ =	swait.ge [sflag:s17], $0x4000;
	s6 =	sadd.s32 s7, s6  }
0xd4: {  	[sflag:s17] =	ssyncset.done $0x0;
	s28 =	sshll.u32 s6, $0x8  }
0xd5: {  	s6 =	simm.s32 $0x100;
	[sflag:s17] =	ssyncadd.s32 $0xFFFFC000;
	s9 =	smov.u32 s28  }
.LBB2_13:
0xd6: {  	s6 =	simm.s32 @p0 $0x3D  }
0xd7: {  	s6 =	sadd.s32 s7, s6  }
0xd8: {  	s9 =	simm.s32 $0x0;
	s28 =	sshll.u32 s6, $0x8;
	s6 =	simm.s32 $0x0  }
.LBB2_15:
.Ltmp13:
0xd9: {  	(pc) =	sbr.rel .LBB2_16-.Ltmp13, $3  }
0xda: {  	_ =	sdelay $0x1  }
0xdb: {  	s6 =	sadd.s32 s6, s9  }
0xdc: {  	v4 =	vmov s9;
	s29 =	simm.s32 $0x0;
	p0 =	por $0x1, $0x1;
	v3 =	vmov s6  }
.LBB2_19:
0xdd: {  	_ =	sdelay $0x2  }
0xde: {  	v12 =	vshll.u32 v11, $0x8  }
0xdf: {  	v61 =	vshll.u32 v11, $0x7;
	v12 =	vand.u32 $0x3800, v12  }
0xe0: {  	[tilespmem:v10+s16+$0x0] =	vst.idx.msk vm2, v8;
	v62 =	vand.u32 $0x380, v61;
	v5 =	vadd.s32 v5, v12  }
0xe1: {  	v63 =	vadd.s32 s31, v7;
	v9 =	vld.idx.msk [tilespmem:v9+s11+$0x0], vm2;
	v5 =	vor.u32 v62, v5  }
0xe2: {  	v5 =	vor.u32 v6, v5;
	_ =	sdelay $0x3  }
0xe3: {  	[tilespmem:v63+s16+$0x0] =	vst.idx.msk vm2, v9  }
0xe4: {  	v6 =	vadd.s32 s9, v7;
	v5 =	vld.idx.msk [tilespmem:v5+s11+$0x0], vm2;
	_ =	sdelay $0x4  }
0xe5: {  	[tilespmem:v6+s16+$0x0] =	vst.idx.msk vm2, v5  }
.LBB2_20:
0xe6: {  	v5 =	vsel vm1, $0x1, v2  }
0xe7: {  	(xrf0) =	vadd.scan.msk.s32 $0xffff, v5;
	_ =	sdelay $0x5  }
0xe8: {  	v5, _, _ =	vpop (xrf0)  }
0xe9: {  	(v2sf) =	vpush v5, $0xF;
	_ =	sdelay $0xe  }
0xea: {  	s6 =	spop (v2sf)  }
0xeb: {  	p1 =	seq.s32 s6, $0x10;
	s6 =	sadd.s32 $0x1, s22  }
0xec: {  	s29 =	sadd.s32 $0x1, s29;
	p0 =	por !p0, !p1;
	p1 =	slt.s32 s6, $0x2A  }
0xed: {  	s6 =	simm.s32 @!p1 $0x2A;
	p1 =	sne.s32 s29, $0x8  }
.Ltmp14:
0xee: {  	_ = 	snop;
	(pc) =	sbr.rel @!p1 .LBB2_21-.Ltmp14, $3  }
0xef: {  	_ =	sdelay $0x1  }
0xf0: {  	p0 =	por !p0, !p0  }
0xf1: {  	s24 =	sadd.s32 s24, s30;
	s22 =	smov.u32 @p0 s6  }
.LBB2_16:
0xf2: {  	s9 =	sshll.u32 s22, $0x4  }
0xf3: {  	v6 =	vld [tilespmem:s9+$0x800];
	_ =	sdelay $0x3  }
0xf4: {  	vm2 =	vmmov vm0  }
0xf5: {  	vm2 =	vmneg @p0 vm2;
	vm3 =	vge.s32 v6, v4  }
0xf6: {  	vm1 =	vlt.s32 v6, v3;
	vm2 =	vmand vm2, vm3  }
0xf7: {  	vm2 =	vmand vm1, vm2  }
0xf8: {  	v5 =	vsel vm2, $0x1, v2  }
0xf9: {  	(xrf0) =	vadd.scan.msk.s32 $0xffff, v5;
	_ =	sdelay $0x5  }
0xfa: {  	v5, _, _ =	vpop (xrf0)  }
0xfb: {  	(v2sf) =	vpush v5, $0xF;
	_ =	sdelay $0xe  }
0xfc: {  	s30 =	spop (v2sf)  }
0xfd: {  	p1 =	slt.s32 s30, $0x1  }
.Ltmp15:
0xfe: {  	_ = 	snop;
	(pc) =	sbr.rel @p1 .LBB2_20-.Ltmp15, $1  }
0xff: {  	_ =	sdelay $0x3  }
0x100: {  	v7 =	vmov s24  }
0x101: {  	v7 =	vadd.s32 $0xFFFFFFFF, v7  }
0x102: {  	s6 =	simm.s32 $0x0;
	v7 =	vbroadcast v7, $0x0  }
0x103: {  	v8 =	vsub.s32 v6, v4;
	v9 =	vmov s6  }
0x104: {  	v7 =	vadd.s32 v7, v5;
	v5 =	vshll.u32 v8, $0x3;
	v8 =	vshll.u32 v9, $0x8  }
0x105: {  	v9 =	vshll.u32 v9, $0x7;
	v5 =	vand.u32 $0xFFFFFC00, v5;
	v8 =	vand.u32 $0x3800, v8  }
0x106: {  	vm3 =	vlt.s32 v7, $0x15F;
	v9 =	vand.u32 $0x380, v9;
	v8 =	vadd.s32 v5, v8  }
0x107: {  	v10 =	vld [tilespmem:s9+$0xB00];
	v6 =	vand.u32 $0x7F, v6;
	v7 =	vnsel vm3, $0x15F, v7;
	v8 =	vor.u32 v9, v8  }
0x108: {  	s31 =	simm.s32 $0x1;
	v8 =	vor.u32 v6, v8  }
0x109: {  	v9 =	vmov s31  }
0x10a: {  	v11 =	vshll.u32 v9, $0x8  }
0x10b: {  	v9 =	vshll.u32 v9, $0x7;
	v11 =	vand.u32 $0x3800, v11  }
0x10c: {  	v9 =	vand.u32 $0x380, v9;
	v11 =	vadd.s32 v5, v11;
	[tilespmem:v7+s15+$0x0] =	vst.idx.msk vm2, v10;
	v7 =	vshll.u32 v7, $0x7  }
0x10d: {  	v9 =	vor.u32 v9, v11;
	v10 =	vadd.s32 s6, v7;
	v8 =	vld.idx.msk [tilespmem:v8+s11+$0x0], vm2  }
0x10e: {  	v9 =	vor.u32 v6, v9  }
0x10f: {  	s9 =	simm.s32 $0x2  }
0x110: {  	v11 =	vmov s9;
	s6 =	simm.s32 $0x3  }
.LBB2_18:
0x111: {  	p1 =	sne.s32 s6, $0x3F;
	v12 =	vshll.u32 v11, $0x8  }
0x112: {  	v11 =	vshll.u32 v11, $0x7;
	v12 =	vand.u32 $0x3800, v12;
	[tilespmem:v10+s16+$0x0] =	vst.idx.msk vm2, v8  }
.Ltmp16:
0x113: {  	v11 =	vand.u32 $0x380, v11;
	v10 =	vadd.s32 v5, v12;
	v8 =	vld.idx.msk [tilespmem:v9+s11+$0x0], vm2;
	(pc) =	sbr.rel @p1 .LBB2_18-.Ltmp16, $3  }
0x114: {  	v9 =	vor.u32 v11, v10;
	v10 =	vadd.s32 s31, v7;
	s31 =	smov.u32 s9;
	s9 =	smov.u32 s6  }
0x115: {  	v9 =	vor.u32 v6, v9;
	_ =	sdelay $0x1  }
0x116: {  	s6 =	sadd.s32 $0x1, s6;
	v11 =	vmov s9  }
.Ltmp17:
0x117: {  	_ = 	snop;
	(pc) =	sbr.rel .LBB2_19-.Ltmp17, $1  }
0x118: {  	_ =	sdelay $0x3  }
.LBB2_21:
0x119: {  	p0 =	sgt.u32 s25, $0xD;
	s30 =	sor.u32 $0x2, s26  }
0x11a: {  	s6 =	sadd.s32 @!p0 s28, s13;
	s9 =	simm.s32 @!p0 $0x800;
	s28 =	simm.s32 @!p0 $0x7A1400  }
0x11b: {  	s29 =	simm.s32 @!p0 $0x4F80;
	s31 =	sadd.s32 s7, s30;
	p1 =	sgt.u32 s30, $0x3C  }
0x11c: {  	[tilespmem:s29], [sflag:$0x2] =	stream.strided.gather @!p0 [hbm4b:s6+s9], $0x4000, s28, s9, $0x38;
	[tilespmem:$0x1BF80] =	vst v63  }
.Ltmp18:
0x11d: {  	p2 =	slt.u32 s30, $0x3D;
	s28 =	sshll.u32 s31, $0x8;
	(pc) =	sbr.rel .LBB2_22-.Ltmp18, $4  }
0x11e: {  	s9 =	simm.s32 @!p1 $0x3;
	s29 =	simm.s32 @!p1 $0x100;
	s6 =	smov.u32 s28  }
0x11f: {  	_ =	swait.ge @!p1 [sflag:s9], $0x4000;
	s29 =	simm.s32 @p1 $0x0;
	s6 =	simm.s32 @!p2 $0x0  }
0x120: {  	[sflag:s9] =	ssyncset.done @!p1 $0x0;
	s29 =	sadd.s32 s6, s29  }
0x121: {  	[sflag:s9] =	ssyncadd.s32 @!p1 $0xFFFFC000;
	v4 =	vmov s6;
	p1 =	por $0x1, $0x1;
	v3 =	vmov s29;
	s29 =	simm.s32 $0x0  }
.LBB2_25:
0x122: {  	_ =	sdelay $0x2  }
0x123: {  	v12 =	vshll.u32 v11, $0x8  }
0x124: {  	v61 =	vshll.u32 v11, $0x7;
	v12 =	vand.u32 $0x3800, v12  }
0x125: {  	[tilespmem:v10+s16+$0x0] =	vst.idx.msk vm2, v8;
	v62 =	vand.u32 $0x380, v61;
	v5 =	vadd.s32 v5, v12  }
0x126: {  	v63 =	vadd.s32 s31, v7;
	v9 =	vld.idx.msk [tilespmem:v9+s12+$0x0], vm2;
	v5 =	vor.u32 v62, v5  }
0x127: {  	v5 =	vor.u32 v6, v5;
	_ =	sdelay $0x3  }
0x128: {  	[tilespmem:v63+s16+$0x0] =	vst.idx.msk vm2, v9  }
0x129: {  	v6 =	vadd.s32 s9, v7;
	v5 =	vld.idx.msk [tilespmem:v5+s12+$0x0], vm2;
	_ =	sdelay $0x4  }
0x12a: {  	[tilespmem:v6+s16+$0x0] =	vst.idx.msk vm2, v5  }
.LBB2_26:
0x12b: {  	v5 =	vsel vm1, $0x1, v2  }
0x12c: {  	(xrf0) =	vadd.scan.msk.s32 $0xffff, v5;
	_ =	sdelay $0x5  }
0x12d: {  	v5, _, _ =	vpop (xrf0)  }
0x12e: {  	(v2sf) =	vpush v5, $0xF;
	_ =	sdelay $0xe  }
0x12f: {  	s6 =	spop (v2sf)  }
0x130: {  	p2 =	seq.s32 s6, $0x10;
	s6 =	sadd.s32 $0x1, s22  }
0x131: {  	s29 =	sadd.s32 $0x1, s29;
	p1 =	por !p1, !p2;
	p2 =	slt.s32 s6, $0x2A  }
0x132: {  	s6 =	simm.s32 @!p2 $0x2A;
	p2 =	sne.s32 s29, $0x8  }
.Ltmp19:
0x133: {  	_ = 	snop;
	(pc) =	sbr.rel @!p2 .LBB2_27-.Ltmp19, $3  }
0x134: {  	_ =	sdelay $0x1  }
0x135: {  	p1 =	por !p1, !p1  }
0x136: {  	s24 =	sadd.s32 s24, s30;
	s22 =	smov.u32 @p1 s6  }
.LBB2_22:
0x137: {  	s9 =	sshll.u32 s22, $0x4  }
0x138: {  	v6 =	vld [tilespmem:s9+$0x800];
	_ =	sdelay $0x3  }
0x139: {  	vm2 =	vmmov vm0  }
0x13a: {  	vm2 =	vmneg @p1 vm2;
	vm3 =	vge.s32 v6, v4  }
0x13b: {  	vm1 =	vlt.s32 v6, v3;
	vm2 =	vmand vm2, vm3  }
0x13c: {  	vm2 =	vmand vm1, vm2  }
0x13d: {  	v5 =	vsel vm2, $0x1, v2  }
0x13e: {  	(xrf0) =	vadd.scan.msk.s32 $0xffff, v5;
	_ =	sdelay $0x5  }
0x13f: {  	v5, _, _ =	vpop (xrf0)  }
0x140: {  	(v2sf) =	vpush v5, $0xF;
	_ =	sdelay $0xe  }
0x141: {  	s30 =	spop (v2sf)  }
0x142: {  	p2 =	slt.s32 s30, $0x1  }
.Ltmp20:
0x143: {  	_ = 	snop;
	(pc) =	sbr.rel @p2 .LBB2_26-.Ltmp20, $1  }
0x144: {  	_ =	sdelay $0x3  }
0x145: {  	v7 =	vmov s24  }
0x146: {  	v7 =	vadd.s32 $0xFFFFFFFF, v7  }
0x147: {  	s6 =	simm.s32 $0x0;
	v7 =	vbroadcast v7, $0x0  }
0x148: {  	v8 =	vsub.s32 v6, v4;
	v9 =	vmov s6  }
0x149: {  	v7 =	vadd.s32 v7, v5;
	v5 =	vshll.u32 v8, $0x3;
	v8 =	vshll.u32 v9, $0x8  }
0x14a: {  	v9 =	vshll.u32 v9, $0x7;
	v5 =	vand.u32 $0xFFFFFC00, v5;
	v8 =	vand.u32 $0x3800, v8  }
0x14b: {  	vm3 =	vlt.s32 v7, $0x15F;
	v9 =	vand.u32 $0x380, v9;
	v8 =	vadd.s32 v5, v8  }
0x14c: {  	v10 =	vld [tilespmem:s9+$0xB00];
	v6 =	vand.u32 $0x7F, v6;
	v7 =	vnsel vm3, $0x15F, v7;
	v8 =	vor.u32 v9, v8  }
0x14d: {  	s31 =	simm.s32 $0x1;
	v8 =	vor.u32 v6, v8  }
0x14e: {  	v9 =	vmov s31  }
0x14f: {  	v11 =	vshll.u32 v9, $0x8  }
0x150: {  	v9 =	vshll.u32 v9, $0x7;
	v11 =	vand.u32 $0x3800, v11  }
0x151: {  	v9 =	vand.u32 $0x380, v9;
	v11 =	vadd.s32 v5, v11;
	[tilespmem:v7+s15+$0x0] =	vst.idx.msk vm2, v10;
	v7 =	vshll.u32 v7, $0x7  }
0x152: {  	v9 =	vor.u32 v9, v11;
	v10 =	vadd.s32 s6, v7;
	v8 =	vld.idx.msk [tilespmem:v8+s12+$0x0], vm2  }
0x153: {  	v9 =	vor.u32 v6, v9  }
0x154: {  	s9 =	simm.s32 $0x2  }
0x155: {  	v11 =	vmov s9;
	s6 =	simm.s32 $0x3  }
.LBB2_24:
0x156: {  	p2 =	sne.s32 s6, $0x3F;
	v12 =	vshll.u32 v11, $0x8  }
0x157: {  	v11 =	vshll.u32 v11, $0x7;
	v12 =	vand.u32 $0x3800, v12;
	[tilespmem:v10+s16+$0x0] =	vst.idx.msk vm2, v8  }
.Ltmp21:
0x158: {  	v11 =	vand.u32 $0x380, v11;
	v10 =	vadd.s32 v5, v12;
	v8 =	vld.idx.msk [tilespmem:v9+s12+$0x0], vm2;
	(pc) =	sbr.rel @p2 .LBB2_24-.Ltmp21, $3  }
0x159: {  	v9 =	vor.u32 v11, v10;
	v10 =	vadd.s32 s31, v7;
	s31 =	smov.u32 s9;
	s9 =	smov.u32 s6  }
0x15a: {  	v9 =	vor.u32 v6, v9;
	_ =	sdelay $0x1  }
0x15b: {  	s6 =	sadd.s32 $0x1, s6;
	v11 =	vmov s9  }
.Ltmp22:
0x15c: {  	_ = 	snop;
	(pc) =	sbr.rel .LBB2_25-.Ltmp22, $1  }
0x15d: {  	_ =	sdelay $0x3  }
.LBB2_27:
0x15e: {  	s6 =	sadd.s32 @!p0 s28, s13;
	s9 =	simm.s32 @!p0 $0x800  }
0x15f: {  	s28 =	simm.s32 @!p0 $0x7A1400;
	s29 =	simm.s32 @!p0 $0x8F80;
	s30 =	sor.u32 $0x3, s26  }
0x160: {  	[tilespmem:s29], [sflag:$0x3] =	stream.strided.gather @!p0 [hbm4b:s6+s9], $0x4000, s28, s9, $0x38;
	[tilespmem:$0x1BF80] =	vst v63  }
0x161: {  	s31 =	sadd.s32 s7, s30;
	p1 =	sgt.u32 s30, $0x3C  }
.Ltmp23:
0x162: {  	p2 =	slt.u32 s30, $0x3D;
	s26 =	sshll.u32 s31, $0x8;
	(pc) =	sbr.rel .LBB2_28-.Ltmp23, $4  }
0x163: {  	s9 =	simm.s32 @!p1 $0x4;
	s28 =	simm.s32 @!p1 $0x100;
	s6 =	smov.u32 s26  }
0x164: {  	_ =	swait.ge @!p1 [sflag:s9], $0x4000;
	s28 =	simm.s32 @p1 $0x0;
	s6 =	simm.s32 @!p2 $0x0  }
0x165: {  	[sflag:s9] =	ssyncset.done @!p1 $0x0;
	s28 =	sadd.s32 s6, s28  }
0x166: {  	[sflag:s9] =	ssyncadd.s32 @!p1 $0xFFFFC000;
	v4 =	vmov s6;
	p1 =	por $0x1, $0x1;
	v3 =	vmov s28;
	s28 =	simm.s32 $0x0  }
.LBB2_31:
0x167: {  	_ =	sdelay $0x2  }
0x168: {  	v12 =	vshll.u32 v11, $0x8  }
0x169: {  	v61 =	vshll.u32 v11, $0x7;
	v12 =	vand.u32 $0x3800, v12  }
0x16a: {  	[tilespmem:v10+s16+$0x0] =	vst.idx.msk vm2, v8;
	v62 =	vand.u32 $0x380, v61;
	v5 =	vadd.s32 v5, v12  }
0x16b: {  	v63 =	vadd.s32 s30, v7;
	v9 =	vld.idx.msk [tilespmem:v9+s14+$0x0], vm2;
	v5 =	vor.u32 v62, v5  }
0x16c: {  	v5 =	vor.u32 v6, v5;
	_ =	sdelay $0x3  }
0x16d: {  	[tilespmem:v63+s16+$0x0] =	vst.idx.msk vm2, v9  }
0x16e: {  	v6 =	vadd.s32 s9, v7;
	v5 =	vld.idx.msk [tilespmem:v5+s14+$0x0], vm2;
	_ =	sdelay $0x4  }
0x16f: {  	[tilespmem:v6+s16+$0x0] =	vst.idx.msk vm2, v5  }
.LBB2_32:
0x170: {  	v5 =	vsel vm1, $0x1, v2  }
0x171: {  	(xrf0) =	vadd.scan.msk.s32 $0xffff, v5;
	_ =	sdelay $0x5  }
0x172: {  	v5, _, _ =	vpop (xrf0)  }
0x173: {  	(v2sf) =	vpush v5, $0xF;
	_ =	sdelay $0xe  }
0x174: {  	s6 =	spop (v2sf)  }
0x175: {  	p2 =	seq.s32 s6, $0x10;
	s6 =	sadd.s32 $0x1, s22  }
0x176: {  	s28 =	sadd.s32 $0x1, s28;
	p1 =	por !p1, !p2;
	p2 =	slt.s32 s6, $0x2A  }
0x177: {  	s6 =	simm.s32 @!p2 $0x2A;
	p2 =	sne.s32 s28, $0x8  }
.Ltmp24:
0x178: {  	_ = 	snop;
	(pc) =	sbr.rel @!p2 .LBB2_33-.Ltmp24, $3  }
0x179: {  	_ =	sdelay $0x1  }
0x17a: {  	p1 =	por !p1, !p1  }
0x17b: {  	s24 =	sadd.s32 s24, s29;
	s22 =	smov.u32 @p1 s6  }
.LBB2_28:
0x17c: {  	s9 =	sshll.u32 s22, $0x4  }
0x17d: {  	v6 =	vld [tilespmem:s9+$0x800];
	_ =	sdelay $0x3  }
0x17e: {  	vm2 =	vmmov vm0  }
0x17f: {  	vm2 =	vmneg @p1 vm2;
	vm3 =	vge.s32 v6, v4  }
0x180: {  	vm1 =	vlt.s32 v6, v3;
	vm2 =	vmand vm2, vm3  }
0x181: {  	vm2 =	vmand vm1, vm2  }
0x182: {  	v5 =	vsel vm2, $0x1, v2  }
0x183: {  	(xrf0) =	vadd.scan.msk.s32 $0xffff, v5;
	_ =	sdelay $0x5  }
0x184: {  	v5, _, _ =	vpop (xrf0)  }
0x185: {  	(v2sf) =	vpush v5, $0xF;
	_ =	sdelay $0xe  }
0x186: {  	s29 =	spop (v2sf)  }
0x187: {  	p2 =	slt.s32 s29, $0x1  }
.Ltmp25:
0x188: {  	_ = 	snop;
	(pc) =	sbr.rel @p2 .LBB2_32-.Ltmp25, $1  }
0x189: {  	_ =	sdelay $0x3  }
0x18a: {  	v7 =	vmov s24  }
0x18b: {  	v7 =	vadd.s32 $0xFFFFFFFF, v7  }
0x18c: {  	s6 =	simm.s32 $0x0;
	v7 =	vbroadcast v7, $0x0  }
0x18d: {  	v8 =	vsub.s32 v6, v4;
	v9 =	vmov s6  }
0x18e: {  	v7 =	vadd.s32 v7, v5;
	v5 =	vshll.u32 v8, $0x3;
	v8 =	vshll.u32 v9, $0x8  }
0x18f: {  	v9 =	vshll.u32 v9, $0x7;
	v5 =	vand.u32 $0xFFFFFC00, v5;
	v8 =	vand.u32 $0x3800, v8  }
0x190: {  	vm3 =	vlt.s32 v7, $0x15F;
	v9 =	vand.u32 $0x380, v9;
	v8 =	vadd.s32 v5, v8  }
0x191: {  	v10 =	vld [tilespmem:s9+$0xB00];
	v6 =	vand.u32 $0x7F, v6;
	v7 =	vnsel vm3, $0x15F, v7;
	v8 =	vor.u32 v9, v8  }
0x192: {  	s30 =	simm.s32 $0x1;
	v8 =	vor.u32 v6, v8  }
0x193: {  	v9 =	vmov s30  }
0x194: {  	v11 =	vshll.u32 v9, $0x8  }
0x195: {  	v9 =	vshll.u32 v9, $0x7;
	v11 =	vand.u32 $0x3800, v11  }
0x196: {  	v9 =	vand.u32 $0x380, v9;
	v11 =	vadd.s32 v5, v11;
	[tilespmem:v7+s15+$0x0] =	vst.idx.msk vm2, v10;
	v7 =	vshll.u32 v7, $0x7  }
0x197: {  	v9 =	vor.u32 v9, v11;
	v10 =	vadd.s32 s6, v7;
	v8 =	vld.idx.msk [tilespmem:v8+s14+$0x0], vm2  }
0x198: {  	v9 =	vor.u32 v6, v9  }
0x199: {  	s9 =	simm.s32 $0x2  }
0x19a: {  	v11 =	vmov s9;
	s6 =	simm.s32 $0x3  }
.LBB2_30:
0x19b: {  	p2 =	sne.s32 s6, $0x3F;
	v12 =	vshll.u32 v11, $0x8  }
0x19c: {  	v11 =	vshll.u32 v11, $0x7;
	v12 =	vand.u32 $0x3800, v12;
	[tilespmem:v10+s16+$0x0] =	vst.idx.msk vm2, v8  }
.Ltmp26:
0x19d: {  	v11 =	vand.u32 $0x380, v11;
	v10 =	vadd.s32 v5, v12;
	v8 =	vld.idx.msk [tilespmem:v9+s14+$0x0], vm2;
	(pc) =	sbr.rel @p2 .LBB2_30-.Ltmp26, $3  }
0x19e: {  	v9 =	vor.u32 v11, v10;
	v10 =	vadd.s32 s30, v7;
	s30 =	smov.u32 s9;
	s9 =	smov.u32 s6  }
0x19f: {  	v9 =	vor.u32 v6, v9;
	_ =	sdelay $0x1  }
0x1a0: {  	s6 =	sadd.s32 $0x1, s6;
	v11 =	vmov s9  }
.Ltmp27:
0x1a1: {  	_ = 	snop;
	(pc) =	sbr.rel .LBB2_31-.Ltmp27, $1  }
0x1a2: {  	_ =	sdelay $0x3  }
.LBB2_34:
0x1a3: {  	s6 =	rddreg [dreg:$0x5];
	s9 =	simm.s32 $0x160  }
0x1a4: {  	[hbm4b:s6+s9] =	stream.indirect.scatter [tilespmem:s16], [sflag:$0x1], $0x80, s15, s9, $0xb8;
	[tilespmem:$0x1BF80] =	vst v63  }
0x1a5: {  	_ =	swait.ge [sflag:s3], $0xB000  }
0x1a6: {  	[sflag:s3] =	ssyncset.done $0x0  }
0x1a7: {  	[sflag:s3] =	ssyncadd.s32 $0xFFFF5000  }
0x1a8: {  	[tilespmem:$0xE00] =	vst v1  }
0x1a9: {  	[tilespmem:$0xE10] =	vst v1  }
0x1aa: {  	[tilespmem:$0xE20] =	vst v1  }
0x1ab: {  	[tilespmem:$0xE30] =	vst v1  }
0x1ac: {  	[tilespmem:$0xE40] =	vst v1  }
0x1ad: {  	[tilespmem:$0xE50] =	vst v1  }
0x1ae: {  	[tilespmem:$0xE60] =	vst v1  }
0x1af: {  	[tilespmem:$0xE70] =	vst v1  }
0x1b0: {  	[tilespmem:$0xE80] =	vst v1  }
0x1b1: {  	[tilespmem:$0xE90] =	vst v1  }
0x1b2: {  	[tilespmem:$0xEA0] =	vst v1  }
0x1b3: {  	[tilespmem:$0xEB0] =	vst v1  }
0x1b4: {  	[tilespmem:$0xEC0] =	vst v1  }
0x1b5: {  	[tilespmem:$0xED0] =	vst v1  }
0x1b6: {  	[tilespmem:$0xEE0] =	vst v1  }
0x1b7: {  	[tilespmem:$0xEF0] =	vst v1  }
0x1b8: {  	[tilespmem:$0xF00] =	vst v1  }
0x1b9: {  	[tilespmem:$0xF10] =	vst v1  }
0x1ba: {  	[tilespmem:$0xF20] =	vst v1  }
0x1bb: {  	[tilespmem:$0xF30] =	vst v1  }
0x1bc: {  	[tilespmem:$0xF40] =	vst v1  }
0x1bd: {  	s28 =	rddreg [dreg:$0xa];
	[tilespmem:$0xF50] =	vst v1  }
0x1be: {  	[tilespmem:s10], [sflag:$0x1] =	stream.strided.gather [hbm4b:s28+s2], $0x4000, s5, s2, $0x38;
	[tilespmem:$0x1BF80] =	vst v63  }
0x1bf: {  	s29 =	rddreg [dreg:$0xb]  }
0x1c0: {  	[tilespmem:s11], [sflag:$0x2] =	stream.strided.gather [hbm4b:s29+s2], $0x4000, s5, s2, $0x38;
	[tilespmem:$0x1BF80] =	vst v63  }
.Ltmp28:
0x1c1: {  	_ = 	snop;
	(pc) =	sbr.rel .LBB2_35-.Ltmp28, $4  }
0x1c2: {  	s30 =	rddreg [dreg:$0xc]  }
0x1c3: {  	[tilespmem:s12], [sflag:$0x3] =	stream.strided.gather [hbm4b:s30+s2], $0x4000, s5, s2, $0x38;
	[tilespmem:$0x1BF80] =	vst v63  }
0x1c4: {  	s24 =	simm.s32 $0x0;
	s25 =	simm.s32 $0x0;
	s31 =	rddreg [dreg:$0xd]  }
0x1c5: {  	[tilespmem:s14], [sflag:$0x4] =	stream.strided.gather [hbm4b:s31+s2], $0x4000, s5, s2, $0x38;
	[tilespmem:$0x1BF80] =	vst v63  }
.LBB2_59:
0x1c6: {  	p0 =	sge.u32 s26, s21  }
0x1c7: {  	s25 =	sadd.s32 $0x1, s25;
	s6 =	sadd.s32 @!p0 s28, s13  }
0x1c8: {  	s9 =	simm.s32 @!p0 $0x800;
	s26 =	simm.s32 @!p0 $0x7A1400;
	s28 =	simm.s32 @!p0 $0xCF80  }
0x1c9: {  	[tilespmem:s28], [sflag:$0x4] =	stream.strided.gather @!p0 [hbm4b:s6+s9], $0x4000, s26, s9, $0x38;
	[tilespmem:$0x1BF80] =	vst v63  }
0x1ca: {  	p0 =	seq.s32 s25, $0x10  }
.Ltmp29:
0x1cb: {  	_ = 	snop;
	(pc) =	sbr.rel @p0 .LBB2_60-.Ltmp29, $1  }
0x1cc: {  	_ =	sdelay $0x3  }
.LBB2_35:
.Ltmp30:
0x1cd: {  	s26 =	sshll.u32 s25, $0x2;
	(pc) =	sbr.rel .LBB2_36-.Ltmp30, $4  }
0x1ce: {  	s6 =	sadd.s32 s23, s26  }
0x1cf: {  	_ =	swait.ge [sflag:s3], $0x4000;
	s28 =	sshll.u32 s6, $0x8  }
0x1d0: {  	[sflag:s3] =	ssyncset.done $0x0;
	s6 =	sadd.s32 $0x100, s28  }
0x1d1: {  	p0 =	por $0x1, $0x1;
	s29 =	simm.s32 $0x0;
	[sflag:s3] =	ssyncadd.s32 $0xFFFFC000;
	v4 =	vmov s28;
	v3 =	vmov s6  }
.LBB2_39:
0x1d2: {  	_ =	sdelay $0x2  }
0x1d3: {  	v12 =	vshll.u32 v11, $0x8  }
0x1d4: {  	v61 =	vshll.u32 v11, $0x7;
	v12 =	vand.u32 $0x3800, v12  }
0x1d5: {  	[tilespmem:v10+s16+$0x0] =	vst.idx.msk vm2, v8;
	v62 =	vand.u32 $0x380, v61;
	v5 =	vadd.s32 v5, v12  }
0x1d6: {  	v63 =	vadd.s32 s31, v7;
	v9 =	vld.idx.msk [tilespmem:v9+s10+$0x0], vm2;
	v5 =	vor.u32 v62, v5  }
0x1d7: {  	v5 =	vor.u32 v6, v5;
	_ =	sdelay $0x3  }
0x1d8: {  	[tilespmem:v63+s16+$0x0] =	vst.idx.msk vm2, v9  }
0x1d9: {  	v6 =	vadd.s32 s9, v7;
	v5 =	vld.idx.msk [tilespmem:v5+s10+$0x0], vm2;
	_ =	sdelay $0x4  }
0x1da: {  	[tilespmem:v6+s16+$0x0] =	vst.idx.msk vm2, v5  }
.LBB2_40:
0x1db: {  	v5 =	vsel vm1, $0x1, v2  }
0x1dc: {  	(xrf0) =	vadd.scan.msk.s32 $0xffff, v5;
	_ =	sdelay $0x5  }
0x1dd: {  	v5, _, _ =	vpop (xrf0)  }
0x1de: {  	(v2sf) =	vpush v5, $0xF;
	_ =	sdelay $0xe  }
0x1df: {  	s6 =	spop (v2sf)  }
0x1e0: {  	p1 =	seq.s32 s6, $0x10;
	s6 =	sadd.s32 $0x1, s22  }
0x1e1: {  	s29 =	sadd.s32 $0x1, s29;
	p0 =	por !p0, !p1;
	p1 =	slt.s32 s6, $0x2A  }
0x1e2: {  	s6 =	simm.s32 @!p1 $0x2A;
	p1 =	sne.s32 s29, $0x8  }
.Ltmp31:
0x1e3: {  	_ = 	snop;
	(pc) =	sbr.rel @!p1 .LBB2_41-.Ltmp31, $3  }
0x1e4: {  	_ =	sdelay $0x1  }
0x1e5: {  	p0 =	por !p0, !p0  }
0x1e6: {  	s24 =	sadd.s32 s24, s30;
	s22 =	smov.u32 @p0 s6  }
.LBB2_36:
0x1e7: {  	s9 =	sshll.u32 s22, $0x4  }
0x1e8: {  	v6 =	vld [tilespmem:s9+$0x800];
	_ =	sdelay $0x3  }
0x1e9: {  	vm2 =	vmmov vm0  }
0x1ea: {  	vm2 =	vmneg @p0 vm2;
	vm3 =	vge.s32 v6, v4  }
0x1eb: {  	vm1 =	vlt.s32 v6, v3;
	vm2 =	vmand vm2, vm3  }
0x1ec: {  	vm2 =	vmand vm1, vm2  }
0x1ed: {  	v5 =	vsel vm2, $0x1, v2  }
0x1ee: {  	(xrf0) =	vadd.scan.msk.s32 $0xffff, v5;
	_ =	sdelay $0x5  }
0x1ef: {  	v5, _, _ =	vpop (xrf0)  }
0x1f0: {  	(v2sf) =	vpush v5, $0xF;
	_ =	sdelay $0xe  }
0x1f1: {  	s30 =	spop (v2sf)  }
0x1f2: {  	p1 =	slt.s32 s30, $0x1  }
.Ltmp32:
0x1f3: {  	_ = 	snop;
	(pc) =	sbr.rel @p1 .LBB2_40-.Ltmp32, $1  }
0x1f4: {  	_ =	sdelay $0x3  }
0x1f5: {  	v7 =	vmov s24  }
0x1f6: {  	v7 =	vadd.s32 $0xFFFFFFFF, v7  }
0x1f7: {  	s6 =	simm.s32 $0x0;
	v7 =	vbroadcast v7, $0x0  }
0x1f8: {  	v8 =	vsub.s32 v6, v4;
	v9 =	vmov s6  }
0x1f9: {  	v7 =	vadd.s32 v7, v5;
	v5 =	vshll.u32 v8, $0x3;
	v8 =	vshll.u32 v9, $0x8  }
0x1fa: {  	v9 =	vshll.u32 v9, $0x7;
	v5 =	vand.u32 $0xFFFFFC00, v5;
	v8 =	vand.u32 $0x3800, v8  }
0x1fb: {  	vm3 =	vlt.s32 v7, $0x15F;
	v9 =	vand.u32 $0x380, v9;
	v8 =	vadd.s32 v5, v8  }
0x1fc: {  	v10 =	vld [tilespmem:s9+$0xB00];
	v6 =	vand.u32 $0x7F, v6;
	v7 =	vnsel vm3, $0x15F, v7;
	v8 =	vor.u32 v9, v8  }
0x1fd: {  	s31 =	simm.s32 $0x1;
	v8 =	vor.u32 v6, v8  }
0x1fe: {  	v9 =	vmov s31  }
0x1ff: {  	v11 =	vshll.u32 v9, $0x8  }
0x200: {  	v9 =	vshll.u32 v9, $0x7;
	v11 =	vand.u32 $0x3800, v11  }
0x201: {  	v9 =	vand.u32 $0x380, v9;
	v11 =	vadd.s32 v5, v11;
	[tilespmem:v7+s15+$0x0] =	vst.idx.msk vm2, v10;
	v7 =	vshll.u32 v7, $0x7  }
0x202: {  	v9 =	vor.u32 v9, v11;
	v10 =	vadd.s32 s6, v7;
	v8 =	vld.idx.msk [tilespmem:v8+s10+$0x0], vm2  }
0x203: {  	v9 =	vor.u32 v6, v9  }
0x204: {  	s9 =	simm.s32 $0x2  }
0x205: {  	v11 =	vmov s9;
	s6 =	simm.s32 $0x3  }
.LBB2_38:
0x206: {  	p1 =	sne.s32 s6, $0x3F;
	v12 =	vshll.u32 v11, $0x8  }
0x207: {  	v11 =	vshll.u32 v11, $0x7;
	v12 =	vand.u32 $0x3800, v12;
	[tilespmem:v10+s16+$0x0] =	vst.idx.msk vm2, v8  }
.Ltmp33:
0x208: {  	v11 =	vand.u32 $0x380, v11;
	v10 =	vadd.s32 v5, v12;
	v8 =	vld.idx.msk [tilespmem:v9+s10+$0x0], vm2;
	(pc) =	sbr.rel @p1 .LBB2_38-.Ltmp33, $3  }
0x209: {  	v9 =	vor.u32 v11, v10;
	v10 =	vadd.s32 s31, v7;
	s31 =	smov.u32 s9;
	s9 =	smov.u32 s6  }
0x20a: {  	v9 =	vor.u32 v6, v9;
	_ =	sdelay $0x1  }
0x20b: {  	s6 =	sadd.s32 $0x1, s6;
	v11 =	vmov s9  }
.Ltmp34:
0x20c: {  	_ = 	snop;
	(pc) =	sbr.rel .LBB2_39-.Ltmp34, $1  }
0x20d: {  	_ =	sdelay $0x3  }
.LBB2_41:
0x20e: {  	p0 =	sge.u32 s26, s18;
	s30 =	sadd.s32 $0x3E, s26  }
0x20f: {  	s6 =	sadd.s32 @!p0 s28, s13;
	s9 =	simm.s32 @!p0 $0x800;
	s28 =	simm.s32 @!p0 $0x7A1400  }
0x210: {  	s29 =	simm.s32 @!p0 $0xF80;
	s31 =	sadd.s32 s7, s30;
	p1 =	slt.u32 s30, s8  }
0x211: {  	[tilespmem:s29], [sflag:$0x1] =	stream.strided.gather @!p0 [hbm4b:s6+s9], $0x4000, s28, s9, $0x38;
	[tilespmem:$0x1BF80] =	vst v63  }
.Ltmp35:
0x212: {  	p0 =	sge.u32 s30, s8;
	s28 =	sshll.u32 s31, $0x8;
	(pc) =	sbr.rel .LBB2_42-.Ltmp35, $4  }
0x213: {  	s9 =	simm.s32 @!p0 $0x2;
	s29 =	simm.s32 @!p0 $0x100;
	s6 =	smov.u32 s28  }
0x214: {  	s6 =	simm.s32 @!p1 $0x0;
	_ =	swait.ge @!p0 [sflag:s9], $0x4000;
	s29 =	simm.s32 @p0 $0x0  }
0x215: {  	[sflag:s9] =	ssyncset.done @!p0 $0x0;
	s29 =	sadd.s32 s6, s29  }
0x216: {  	v4 =	vmov s6;
	[sflag:s9] =	ssyncadd.s32 @!p0 $0xFFFFC000;
	v3 =	vmov s29;
	s29 =	simm.s32 $0x0;
	p0 =	por $0x1, $0x1  }
.LBB2_45:
0x217: {  	_ =	sdelay $0x2  }
0x218: {  	v12 =	vshll.u32 v11, $0x8  }
0x219: {  	v61 =	vshll.u32 v11, $0x7;
	v12 =	vand.u32 $0x3800, v12  }
0x21a: {  	[tilespmem:v10+s16+$0x0] =	vst.idx.msk vm2, v8;
	v62 =	vand.u32 $0x380, v61;
	v5 =	vadd.s32 v5, v12  }
0x21b: {  	v63 =	vadd.s32 s31, v7;
	v9 =	vld.idx.msk [tilespmem:v9+s11+$0x0], vm2;
	v5 =	vor.u32 v62, v5  }
0x21c: {  	v5 =	vor.u32 v6, v5;
	_ =	sdelay $0x3  }
0x21d: {  	[tilespmem:v63+s16+$0x0] =	vst.idx.msk vm2, v9  }
0x21e: {  	v6 =	vadd.s32 s9, v7;
	v5 =	vld.idx.msk [tilespmem:v5+s11+$0x0], vm2;
	_ =	sdelay $0x4  }
0x21f: {  	[tilespmem:v6+s16+$0x0] =	vst.idx.msk vm2, v5  }
.LBB2_46:
0x220: {  	v5 =	vsel vm1, $0x1, v2  }
0x221: {  	(xrf0) =	vadd.scan.msk.s32 $0xffff, v5;
	_ =	sdelay $0x5  }
0x222: {  	v5, _, _ =	vpop (xrf0)  }
0x223: {  	(v2sf) =	vpush v5, $0xF;
	_ =	sdelay $0xe  }
0x224: {  	s6 =	spop (v2sf)  }
0x225: {  	p1 =	seq.s32 s6, $0x10;
	s6 =	sadd.s32 $0x1, s22  }
0x226: {  	s29 =	sadd.s32 $0x1, s29;
	p0 =	por !p0, !p1;
	p1 =	slt.s32 s6, $0x2A  }
0x227: {  	s6 =	simm.s32 @!p1 $0x2A;
	p1 =	sne.s32 s29, $0x8  }
.Ltmp36:
0x228: {  	_ = 	snop;
	(pc) =	sbr.rel @!p1 .LBB2_47-.Ltmp36, $3  }
0x229: {  	_ =	sdelay $0x1  }
0x22a: {  	p0 =	por !p0, !p0  }
0x22b: {  	s24 =	sadd.s32 s24, s30;
	s22 =	smov.u32 @p0 s6  }
.LBB2_42:
0x22c: {  	s9 =	sshll.u32 s22, $0x4  }
0x22d: {  	v6 =	vld [tilespmem:s9+$0x800];
	_ =	sdelay $0x3  }
0x22e: {  	vm2 =	vmmov vm0  }
0x22f: {  	vm2 =	vmneg @p0 vm2;
	vm3 =	vge.s32 v6, v4  }
0x230: {  	vm1 =	vlt.s32 v6, v3;
	vm2 =	vmand vm2, vm3  }
0x231: {  	vm2 =	vmand vm1, vm2  }
0x232: {  	v5 =	vsel vm2, $0x1, v2  }
0x233: {  	(xrf0) =	vadd.scan.msk.s32 $0xffff, v5;
	_ =	sdelay $0x5  }
0x234: {  	v5, _, _ =	vpop (xrf0)  }
0x235: {  	(v2sf) =	vpush v5, $0xF;
	_ =	sdelay $0xe  }
0x236: {  	s30 =	spop (v2sf)  }
0x237: {  	p1 =	slt.s32 s30, $0x1  }
.Ltmp37:
0x238: {  	_ = 	snop;
	(pc) =	sbr.rel @p1 .LBB2_46-.Ltmp37, $1  }
0x239: {  	_ =	sdelay $0x3  }
0x23a: {  	v7 =	vmov s24  }
0x23b: {  	v7 =	vadd.s32 $0xFFFFFFFF, v7  }
0x23c: {  	s6 =	simm.s32 $0x0;
	v7 =	vbroadcast v7, $0x0  }
0x23d: {  	v8 =	vsub.s32 v6, v4;
	v9 =	vmov s6  }
0x23e: {  	v7 =	vadd.s32 v7, v5;
	v5 =	vshll.u32 v8, $0x3;
	v8 =	vshll.u32 v9, $0x8  }
0x23f: {  	v9 =	vshll.u32 v9, $0x7;
	v5 =	vand.u32 $0xFFFFFC00, v5;
	v8 =	vand.u32 $0x3800, v8  }
0x240: {  	vm3 =	vlt.s32 v7, $0x15F;
	v9 =	vand.u32 $0x380, v9;
	v8 =	vadd.s32 v5, v8  }
0x241: {  	v10 =	vld [tilespmem:s9+$0xB00];
	v6 =	vand.u32 $0x7F, v6;
	v7 =	vnsel vm3, $0x15F, v7;
	v8 =	vor.u32 v9, v8  }
0x242: {  	s31 =	simm.s32 $0x1;
	v8 =	vor.u32 v6, v8  }
0x243: {  	v9 =	vmov s31  }
0x244: {  	v11 =	vshll.u32 v9, $0x8  }
0x245: {  	v9 =	vshll.u32 v9, $0x7;
	v11 =	vand.u32 $0x3800, v11  }
0x246: {  	v9 =	vand.u32 $0x380, v9;
	v11 =	vadd.s32 v5, v11;
	[tilespmem:v7+s15+$0x0] =	vst.idx.msk vm2, v10;
	v7 =	vshll.u32 v7, $0x7  }
0x247: {  	v9 =	vor.u32 v9, v11;
	v10 =	vadd.s32 s6, v7;
	v8 =	vld.idx.msk [tilespmem:v8+s11+$0x0], vm2  }
0x248: {  	v9 =	vor.u32 v6, v9  }
0x249: {  	s9 =	simm.s32 $0x2  }
0x24a: {  	v11 =	vmov s9;
	s6 =	simm.s32 $0x3  }
.LBB2_44:
0x24b: {  	p1 =	sne.s32 s6, $0x3F;
	v12 =	vshll.u32 v11, $0x8  }
0x24c: {  	v11 =	vshll.u32 v11, $0x7;
	v12 =	vand.u32 $0x3800, v12;
	[tilespmem:v10+s16+$0x0] =	vst.idx.msk vm2, v8  }
.Ltmp38:
0x24d: {  	v11 =	vand.u32 $0x380, v11;
	v10 =	vadd.s32 v5, v12;
	v8 =	vld.idx.msk [tilespmem:v9+s11+$0x0], vm2;
	(pc) =	sbr.rel @p1 .LBB2_44-.Ltmp38, $3  }
0x24e: {  	v9 =	vor.u32 v11, v10;
	v10 =	vadd.s32 s31, v7;
	s31 =	smov.u32 s9;
	s9 =	smov.u32 s6  }
0x24f: {  	v9 =	vor.u32 v6, v9;
	_ =	sdelay $0x1  }
0x250: {  	s6 =	sadd.s32 $0x1, s6;
	v11 =	vmov s9  }
.Ltmp39:
0x251: {  	_ = 	snop;
	(pc) =	sbr.rel .LBB2_45-.Ltmp39, $1  }
0x252: {  	_ =	sdelay $0x3  }
.LBB2_47:
0x253: {  	p0 =	sge.u32 s26, s19;
	s30 =	sadd.s32 $0x3F, s26  }
0x254: {  	s6 =	sadd.s32 @!p0 s28, s13;
	s9 =	simm.s32 @!p0 $0x800;
	s28 =	simm.s32 @!p0 $0x7A1400  }
0x255: {  	s29 =	simm.s32 @!p0 $0x4F80;
	s31 =	sadd.s32 s7, s30;
	p1 =	slt.u32 s30, s8  }
0x256: {  	[tilespmem:s29], [sflag:$0x2] =	stream.strided.gather @!p0 [hbm4b:s6+s9], $0x4000, s28, s9, $0x38;
	[tilespmem:$0x1BF80] =	vst v63  }
.Ltmp40:
0x257: {  	p0 =	sge.u32 s30, s8;
	s28 =	sshll.u32 s31, $0x8;
	(pc) =	sbr.rel .LBB2_48-.Ltmp40, $4  }
0x258: {  	s9 =	simm.s32 @!p0 $0x3;
	s29 =	simm.s32 @!p0 $0x100;
	s6 =	smov.u32 s28  }
0x259: {  	s6 =	simm.s32 @!p1 $0x0;
	_ =	swait.ge @!p0 [sflag:s9], $0x4000;
	s29 =	simm.s32 @p0 $0x0  }
0x25a: {  	[sflag:s9] =	ssyncset.done @!p0 $0x0;
	s29 =	sadd.s32 s6, s29  }
0x25b: {  	v4 =	vmov s6;
	[sflag:s9] =	ssyncadd.s32 @!p0 $0xFFFFC000;
	v3 =	vmov s29;
	s29 =	simm.s32 $0x0;
	p0 =	por $0x1, $0x1  }
.LBB2_51:
0x25c: {  	_ =	sdelay $0x2  }
0x25d: {  	v12 =	vshll.u32 v11, $0x8  }
0x25e: {  	v61 =	vshll.u32 v11, $0x7;
	v12 =	vand.u32 $0x3800, v12  }
0x25f: {  	[tilespmem:v10+s16+$0x0] =	vst.idx.msk vm2, v8;
	v62 =	vand.u32 $0x380, v61;
	v5 =	vadd.s32 v5, v12  }
0x260: {  	v63 =	vadd.s32 s31, v7;
	v9 =	vld.idx.msk [tilespmem:v9+s12+$0x0], vm2;
	v5 =	vor.u32 v62, v5  }
0x261: {  	v5 =	vor.u32 v6, v5;
	_ =	sdelay $0x3  }
0x262: {  	[tilespmem:v63+s16+$0x0] =	vst.idx.msk vm2, v9  }
0x263: {  	v6 =	vadd.s32 s9, v7;
	v5 =	vld.idx.msk [tilespmem:v5+s12+$0x0], vm2;
	_ =	sdelay $0x4  }
0x264: {  	[tilespmem:v6+s16+$0x0] =	vst.idx.msk vm2, v5  }
.LBB2_52:
0x265: {  	v5 =	vsel vm1, $0x1, v2  }
0x266: {  	(xrf0) =	vadd.scan.msk.s32 $0xffff, v5;
	_ =	sdelay $0x5  }
0x267: {  	v5, _, _ =	vpop (xrf0)  }
0x268: {  	(v2sf) =	vpush v5, $0xF;
	_ =	sdelay $0xe  }
0x269: {  	s6 =	spop (v2sf)  }
0x26a: {  	p1 =	seq.s32 s6, $0x10;
	s6 =	sadd.s32 $0x1, s22  }
0x26b: {  	s29 =	sadd.s32 $0x1, s29;
	p0 =	por !p0, !p1;
	p1 =	slt.s32 s6, $0x2A  }
0x26c: {  	s6 =	simm.s32 @!p1 $0x2A;
	p1 =	sne.s32 s29, $0x8  }
.Ltmp41:
0x26d: {  	_ = 	snop;
	(pc) =	sbr.rel @!p1 .LBB2_53-.Ltmp41, $3  }
0x26e: {  	_ =	sdelay $0x1  }
0x26f: {  	p0 =	por !p0, !p0  }
0x270: {  	s24 =	sadd.s32 s24, s30;
	s22 =	smov.u32 @p0 s6  }
.LBB2_48:
0x271: {  	s9 =	sshll.u32 s22, $0x4  }
0x272: {  	v6 =	vld [tilespmem:s9+$0x800];
	_ =	sdelay $0x3  }
0x273: {  	vm2 =	vmmov vm0  }
0x274: {  	vm2 =	vmneg @p0 vm2;
	vm3 =	vge.s32 v6, v4  }
0x275: {  	vm1 =	vlt.s32 v6, v3;
	vm2 =	vmand vm2, vm3  }
0x276: {  	vm2 =	vmand vm1, vm2  }
0x277: {  	v5 =	vsel vm2, $0x1, v2  }
0x278: {  	(xrf0) =	vadd.scan.msk.s32 $0xffff, v5;
	_ =	sdelay $0x5  }
0x279: {  	v5, _, _ =	vpop (xrf0)  }
0x27a: {  	(v2sf) =	vpush v5, $0xF;
	_ =	sdelay $0xe  }
0x27b: {  	s30 =	spop (v2sf)  }
0x27c: {  	p1 =	slt.s32 s30, $0x1  }
.Ltmp42:
0x27d: {  	_ = 	snop;
	(pc) =	sbr.rel @p1 .LBB2_52-.Ltmp42, $1  }
0x27e: {  	_ =	sdelay $0x3  }
0x27f: {  	v7 =	vmov s24  }
0x280: {  	v7 =	vadd.s32 $0xFFFFFFFF, v7  }
0x281: {  	s6 =	simm.s32 $0x0;
	v7 =	vbroadcast v7, $0x0  }
0x282: {  	v8 =	vsub.s32 v6, v4;
	v9 =	vmov s6  }
0x283: {  	v7 =	vadd.s32 v7, v5;
	v5 =	vshll.u32 v8, $0x3;
	v8 =	vshll.u32 v9, $0x8  }
0x284: {  	v9 =	vshll.u32 v9, $0x7;
	v5 =	vand.u32 $0xFFFFFC00, v5;
	v8 =	vand.u32 $0x3800, v8  }
0x285: {  	vm3 =	vlt.s32 v7, $0x15F;
	v9 =	vand.u32 $0x380, v9;
	v8 =	vadd.s32 v5, v8  }
0x286: {  	v10 =	vld [tilespmem:s9+$0xB00];
	v6 =	vand.u32 $0x7F, v6;
	v7 =	vnsel vm3, $0x15F, v7;
	v8 =	vor.u32 v9, v8  }
0x287: {  	s31 =	simm.s32 $0x1;
	v8 =	vor.u32 v6, v8  }
0x288: {  	v9 =	vmov s31  }
0x289: {  	v11 =	vshll.u32 v9, $0x8  }
0x28a: {  	v9 =	vshll.u32 v9, $0x7;
	v11 =	vand.u32 $0x3800, v11  }
0x28b: {  	v9 =	vand.u32 $0x380, v9;
	v11 =	vadd.s32 v5, v11;
	[tilespmem:v7+s15+$0x0] =	vst.idx.msk vm2, v10;
	v7 =	vshll.u32 v7, $0x7  }
0x28c: {  	v9 =	vor.u32 v9, v11;
	v10 =	vadd.s32 s6, v7;
	v8 =	vld.idx.msk [tilespmem:v8+s12+$0x0], vm2  }
0x28d: {  	v9 =	vor.u32 v6, v9  }
0x28e: {  	s9 =	simm.s32 $0x2  }
0x28f: {  	v11 =	vmov s9;
	s6 =	simm.s32 $0x3  }
.LBB2_50:
0x290: {  	p1 =	sne.s32 s6, $0x3F;
	v12 =	vshll.u32 v11, $0x8  }
0x291: {  	v11 =	vshll.u32 v11, $0x7;
	v12 =	vand.u32 $0x3800, v12;
	[tilespmem:v10+s16+$0x0] =	vst.idx.msk vm2, v8  }
.Ltmp43:
0x292: {  	v11 =	vand.u32 $0x380, v11;
	v10 =	vadd.s32 v5, v12;
	v8 =	vld.idx.msk [tilespmem:v9+s12+$0x0], vm2;
	(pc) =	sbr.rel @p1 .LBB2_50-.Ltmp43, $3  }
0x293: {  	v9 =	vor.u32 v11, v10;
	v10 =	vadd.s32 s31, v7;
	s31 =	smov.u32 s9;
	s9 =	smov.u32 s6  }
0x294: {  	v9 =	vor.u32 v6, v9;
	_ =	sdelay $0x1  }
0x295: {  	s6 =	sadd.s32 $0x1, s6;
	v11 =	vmov s9  }
.Ltmp44:
0x296: {  	_ = 	snop;
	(pc) =	sbr.rel .LBB2_51-.Ltmp44, $1  }
0x297: {  	_ =	sdelay $0x3  }
.LBB2_53:
0x298: {  	p0 =	sge.u32 s26, s20;
	s30 =	sor.u32 $0x40, s26  }
0x299: {  	s6 =	sadd.s32 @!p0 s28, s13;
	s9 =	simm.s32 @!p0 $0x800;
	s28 =	simm.s32 @!p0 $0x7A1400  }
0x29a: {  	s29 =	simm.s32 @!p0 $0x8F80;
	s31 =	sadd.s32 s7, s30;
	p1 =	slt.u32 s30, s8  }
0x29b: {  	[tilespmem:s29], [sflag:$0x3] =	stream.strided.gather @!p0 [hbm4b:s6+s9], $0x4000, s28, s9, $0x38;
	[tilespmem:$0x1BF80] =	vst v63  }
.Ltmp45:
0x29c: {  	p0 =	sge.u32 s30, s8;
	s28 =	sshll.u32 s31, $0x8;
	(pc) =	sbr.rel .LBB2_54-.Ltmp45, $4  }
0x29d: {  	s9 =	simm.s32 @!p0 $0x4;
	s29 =	simm.s32 @!p0 $0x100;
	s6 =	smov.u32 s28  }
0x29e: {  	s6 =	simm.s32 @!p1 $0x0;
	_ =	swait.ge @!p0 [sflag:s9], $0x4000;
	s29 =	simm.s32 @p0 $0x0  }
0x29f: {  	[sflag:s9] =	ssyncset.done @!p0 $0x0;
	s29 =	sadd.s32 s6, s29  }
0x2a0: {  	v4 =	vmov s6;
	[sflag:s9] =	ssyncadd.s32 @!p0 $0xFFFFC000;
	v3 =	vmov s29;
	s29 =	simm.s32 $0x0;
	p0 =	por $0x1, $0x1  }
.LBB2_57:
0x2a1: {  	_ =	sdelay $0x2  }
0x2a2: {  	v12 =	vshll.u32 v11, $0x8  }
0x2a3: {  	v61 =	vshll.u32 v11, $0x7;
	v12 =	vand.u32 $0x3800, v12  }
0x2a4: {  	[tilespmem:v10+s16+$0x0] =	vst.idx.msk vm2, v8;
	v62 =	vand.u32 $0x380, v61;
	v5 =	vadd.s32 v5, v12  }
0x2a5: {  	v63 =	vadd.s32 s31, v7;
	v9 =	vld.idx.msk [tilespmem:v9+s14+$0x0], vm2;
	v5 =	vor.u32 v62, v5  }
0x2a6: {  	v5 =	vor.u32 v6, v5;
	_ =	sdelay $0x3  }
0x2a7: {  	[tilespmem:v63+s16+$0x0] =	vst.idx.msk vm2, v9  }
0x2a8: {  	v6 =	vadd.s32 s9, v7;
	v5 =	vld.idx.msk [tilespmem:v5+s14+$0x0], vm2;
	_ =	sdelay $0x4  }
0x2a9: {  	[tilespmem:v6+s16+$0x0] =	vst.idx.msk vm2, v5  }
.LBB2_58:
0x2aa: {  	v5 =	vsel vm1, $0x1, v2  }
0x2ab: {  	(xrf0) =	vadd.scan.msk.s32 $0xffff, v5;
	_ =	sdelay $0x5  }
0x2ac: {  	v5, _, _ =	vpop (xrf0)  }
0x2ad: {  	(v2sf) =	vpush v5, $0xF;
	_ =	sdelay $0xe  }
0x2ae: {  	s6 =	spop (v2sf)  }
0x2af: {  	p1 =	seq.s32 s6, $0x10;
	s6 =	sadd.s32 $0x1, s22  }
0x2b0: {  	s29 =	sadd.s32 $0x1, s29;
	p0 =	por !p0, !p1;
	p1 =	slt.s32 s6, $0x2A  }
0x2b1: {  	s6 =	simm.s32 @!p1 $0x2A;
	p1 =	sne.s32 s29, $0x8  }
.Ltmp46:
0x2b2: {  	_ = 	snop;
	(pc) =	sbr.rel @!p1 .LBB2_59-.Ltmp46, $3  }
0x2b3: {  	_ =	sdelay $0x1  }
0x2b4: {  	p0 =	por !p0, !p0  }
0x2b5: {  	s24 =	sadd.s32 s24, s30;
	s22 =	smov.u32 @p0 s6  }
.LBB2_54:
0x2b6: {  	s9 =	sshll.u32 s22, $0x4  }
0x2b7: {  	v6 =	vld [tilespmem:s9+$0x800];
	_ =	sdelay $0x3  }
0x2b8: {  	vm2 =	vmmov vm0  }
0x2b9: {  	vm2 =	vmneg @p0 vm2;
	vm3 =	vge.s32 v6, v4  }
0x2ba: {  	vm1 =	vlt.s32 v6, v3;
	vm2 =	vmand vm2, vm3  }
0x2bb: {  	vm2 =	vmand vm1, vm2  }
0x2bc: {  	v5 =	vsel vm2, $0x1, v2  }
0x2bd: {  	(xrf0) =	vadd.scan.msk.s32 $0xffff, v5;
	_ =	sdelay $0x5  }
0x2be: {  	v5, _, _ =	vpop (xrf0)  }
0x2bf: {  	(v2sf) =	vpush v5, $0xF;
	_ =	sdelay $0xe  }
0x2c0: {  	s30 =	spop (v2sf)  }
0x2c1: {  	p1 =	slt.s32 s30, $0x1  }
.Ltmp47:
0x2c2: {  	_ = 	snop;
	(pc) =	sbr.rel @p1 .LBB2_58-.Ltmp47, $1  }
0x2c3: {  	_ =	sdelay $0x3  }
0x2c4: {  	v7 =	vmov s24  }
0x2c5: {  	v7 =	vadd.s32 $0xFFFFFFFF, v7  }
0x2c6: {  	s6 =	simm.s32 $0x0;
	v7 =	vbroadcast v7, $0x0  }
0x2c7: {  	v8 =	vsub.s32 v6, v4;
	v9 =	vmov s6  }
0x2c8: {  	v7 =	vadd.s32 v7, v5;
	v5 =	vshll.u32 v8, $0x3;
	v8 =	vshll.u32 v9, $0x8  }
0x2c9: {  	v9 =	vshll.u32 v9, $0x7;
	v5 =	vand.u32 $0xFFFFFC00, v5;
	v8 =	vand.u32 $0x3800, v8  }
0x2ca: {  	vm3 =	vlt.s32 v7, $0x15F;
	v9 =	vand.u32 $0x380, v9;
	v8 =	vadd.s32 v5, v8  }
0x2cb: {  	v10 =	vld [tilespmem:s9+$0xB00];
	v6 =	vand.u32 $0x7F, v6;
	v7 =	vnsel vm3, $0x15F, v7;
	v8 =	vor.u32 v9, v8  }
0x2cc: {  	s31 =	simm.s32 $0x1;
	v8 =	vor.u32 v6, v8  }
0x2cd: {  	v9 =	vmov s31  }
0x2ce: {  	v11 =	vshll.u32 v9, $0x8  }
0x2cf: {  	v9 =	vshll.u32 v9, $0x7;
	v11 =	vand.u32 $0x3800, v11  }
0x2d0: {  	v9 =	vand.u32 $0x380, v9;
	v11 =	vadd.s32 v5, v11;
	[tilespmem:v7+s15+$0x0] =	vst.idx.msk vm2, v10;
	v7 =	vshll.u32 v7, $0x7  }
0x2d1: {  	v9 =	vor.u32 v9, v11;
	v10 =	vadd.s32 s6, v7;
	v8 =	vld.idx.msk [tilespmem:v8+s14+$0x0], vm2  }
0x2d2: {  	v9 =	vor.u32 v6, v9  }
0x2d3: {  	s9 =	simm.s32 $0x2  }
0x2d4: {  	v11 =	vmov s9;
	s6 =	simm.s32 $0x3  }
.LBB2_56:
0x2d5: {  	p1 =	sne.s32 s6, $0x3F;
	v12 =	vshll.u32 v11, $0x8  }
0x2d6: {  	v11 =	vshll.u32 v11, $0x7;
	v12 =	vand.u32 $0x3800, v12;
	[tilespmem:v10+s16+$0x0] =	vst.idx.msk vm2, v8  }
.Ltmp48:
0x2d7: {  	v11 =	vand.u32 $0x380, v11;
	v10 =	vadd.s32 v5, v12;
	v8 =	vld.idx.msk [tilespmem:v9+s14+$0x0], vm2;
	(pc) =	sbr.rel @p1 .LBB2_56-.Ltmp48, $3  }
0x2d8: {  	v9 =	vor.u32 v11, v10;
	v10 =	vadd.s32 s31, v7;
	s31 =	smov.u32 s9;
	s9 =	smov.u32 s6  }
0x2d9: {  	v9 =	vor.u32 v6, v9;
	_ =	sdelay $0x1  }
0x2da: {  	s6 =	sadd.s32 $0x1, s6;
	v11 =	vmov s9  }
.Ltmp49:
0x2db: {  	_ = 	snop;
	(pc) =	sbr.rel .LBB2_57-.Ltmp49, $1  }
0x2dc: {  	_ =	sdelay $0x3  }
.LBB2_60:
0x2dd: {  	s25 =	simm.s32 $0x0;
	s6 =	rddreg [dreg:$0x1]  }
0x2de: {  	[tilespmem:s10], [sflag:$0x5] =	stream.linear.gather [hbm4b:s6+s25], $0x400, $0x38;
	[tilespmem:$0x1BF80] =	vst v63  }
0x2df: {  	s31 =	rddreg [dreg:$0xf];
	s9 =	simm.s32 $0x1780  }
0x2e0: {  	[tilespmem:s9], [sflag:$0x5] =	stream.linear.gather [hbm4b:s31+s25], $0x400, $0x38;
	[tilespmem:$0x1BF80] =	vst v63  }
0x2e1: {  	s26 =	simm.s32 $0x1F80;
	s9 =	rddreg [dreg:$0x10]  }
0x2e2: {  	[tilespmem:s26], [sflag:$0x5] =	stream.linear.gather [hbm4b:s9+s25], $0x400, $0x38;
	[tilespmem:$0x1BF80] =	vst v63  }
0x2e3: {  	s28 =	rddreg [dreg:$0x11];
	s29 =	simm.s32 $0x2780  }
0x2e4: {  	[tilespmem:s29], [sflag:$0x5] =	stream.linear.gather [hbm4b:s28+s25], $0x400, $0x38;
	[tilespmem:$0x1BF80] =	vst v63  }
0x2e5: {  	s30 =	rddreg [dreg:$0x12];
	s31 =	simm.s32 $0x2F80  }
0x2e6: {  	[tilespmem:s31], [sflag:$0x5] =	stream.linear.gather [hbm4b:s30+s25], $0x400, $0x38;
	[tilespmem:$0x1BF80] =	vst v63  }
0x2e7: {  	s9 =	rddreg [dreg:$0x13];
	s26 =	simm.s32 $0x3780  }
0x2e8: {  	[tilespmem:s26], [sflag:$0x5] =	stream.linear.gather [hbm4b:s9+s25], $0x400, $0x38;
	[tilespmem:$0x1BF80] =	vst v63  }
0x2e9: {  	s28 =	rddreg [dreg:$0x14];
	s29 =	simm.s32 $0x3F80  }
0x2ea: {  	[tilespmem:s29], [sflag:$0x5] =	stream.linear.gather [hbm4b:s28+s25], $0x400, $0x38;
	[tilespmem:$0x1BF80] =	vst v63  }
.Ltmp50:
0x2eb: {  	s30 =	rddreg [dreg:$0x15];
	s31 =	simm.s32 $0x4780;
	(pc) =	sbr.rel .LBB2_61-.Ltmp50, $4  }
0x2ec: {  	[tilespmem:s31], [sflag:$0x5] =	stream.linear.gather [hbm4b:s30+s25], $0x400, $0x38;
	[tilespmem:$0x1BF80] =	vst v63  }
0x2ed: {  	_ =	swait.ge [sflag:s0], $0x2000  }
0x2ee: {  	[sflag:s0] =	ssyncset.done $0x0  }
0x2ef: {  	p0 =	por $0x1, $0x1;
	[sflag:s0] =	ssyncadd.s32 $0xFFFFE000  }
.LBB2_65:
0x2f0: {  	vm1 =	vlt.s32 v3, $0xF4280  }
0x2f1: {  	v3 =	vsel vm1, $0x1, v2  }
0x2f2: {  	(xrf0) =	vadd.scan.msk.s32 $0xffff, v3;
	_ =	sdelay $0x5  }
0x2f3: {  	v3, _, _ =	vpop (xrf0)  }
0x2f4: {  	(v2sf) =	vpush v3, $0xF;
	_ =	sdelay $0xe  }
0x2f5: {  	s6 =	spop (v2sf)  }
0x2f6: {  	p1 =	seq.s32 s6, $0x10;
	s6 =	sadd.s32 $0x1, s22  }
0x2f7: {  	s25 =	sadd.s32 $0x1, s25;
	p0 =	por !p0, !p1;
	p1 =	slt.s32 s6, $0x2A  }
0x2f8: {  	s6 =	simm.s32 @!p1 $0x2A;
	p1 =	sne.s32 s25, $0x8  }
.Ltmp51:
0x2f9: {  	_ = 	snop;
	(pc) =	sbr.rel @!p1 .LBB2_66-.Ltmp51, $3  }
0x2fa: {  	_ =	sdelay $0x1  }
0x2fb: {  	p0 =	por !p0, !p0  }
0x2fc: {  	s24 =	sadd.s32 s24, s26;
	s22 =	smov.u32 @p0 s6  }
.LBB2_61:
0x2fd: {  	s9 =	sshll.u32 s22, $0x4  }
0x2fe: {  	v3 =	vld [tilespmem:s9+$0x800];
	_ =	sdelay $0x4  }
0x2ff: {  	vm1 =	vmmov vm0;
	v4 =	vand.u32 $0xFFFFFF80, v3  }
0x300: {  	vm1 =	vmneg @p0 vm1;
	vm2 =	veq.s32 v4, $0xF4200  }
0x301: {  	vm1 =	vmand vm1, vm2  }
0x302: {  	v4 =	vsel vm1, $0x1, v2  }
0x303: {  	(xrf0) =	vadd.scan.msk.s32 $0xffff, v4;
	_ =	sdelay $0x5  }
0x304: {  	v4, _, _ =	vpop (xrf0)  }
0x305: {  	(v2sf) =	vpush v4, $0xF;
	_ =	sdelay $0xe  }
0x306: {  	s26 =	spop (v2sf)  }
0x307: {  	p1 =	slt.s32 s26, $0x1  }
.Ltmp52:
0x308: {  	_ = 	snop;
	(pc) =	sbr.rel @p1 .LBB2_65-.Ltmp52, $1  }
0x309: {  	_ =	sdelay $0x3  }
0x30a: {  	v5 =	vmov s24  }
0x30b: {  	v5 =	vadd.s32 $0xFFFFFFFF, v5  }
0x30c: {  	v5 =	vbroadcast v5, $0x0;
	_ =	sdelay $0x1  }
0x30d: {  	s6 =	simm.s32 $0x0;
	v5 =	vadd.s32 v5, v4;
	v4 =	vshll.u32 v3, $0x3  }
0x30e: {  	v6 =	vand.u32 $0x7F, v3;
	v7 =	vmov s6;
	v4 =	vand.u32 $0xFFFFFC00, v4  }
0x30f: {  	vm2 =	vlt.s32 v5, $0x15F;
	v4 =	vor.u32 v6, v4;
	v6 =	vshll.u32 v7, $0x8  }
0x310: {  	v7 =	vshll.u32 v7, $0x7;
	v4 =	vadd.s32 $0xFF85F000, v4;
	v6 =	vand.u32 $0x3800, v6  }
0x311: {  	v8 =	vld [tilespmem:s9+$0xB00];
	v5 =	vnsel vm2, $0x15F, v5;
	v7 =	vand.u32 $0x380, v7;
	v6 =	vadd.s32 v6, v4  }
0x312: {  	v6 =	vor.u32 v7, v6  }
0x313: {  	s28 =	simm.s32 $0x1  }
0x314: {  	v7 =	vmov s28  }
0x315: {  	v9 =	vshll.u32 v7, $0x8  }
0x316: {  	v7 =	vshll.u32 v7, $0x7;
	v9 =	vand.u32 $0x3800, v9;
	[tilespmem:v5+s15+$0x0] =	vst.idx.msk vm1, v8;
	v5 =	vshll.u32 v5, $0x7  }
0x317: {  	v7 =	vand.u32 $0x380, v7;
	v9 =	vadd.s32 v9, v4;
	v8 =	vadd.s32 s6, v5;
	v6 =	vld.idx.msk [tilespmem:v6+s10+$0x0], vm1  }
0x318: {  	v7 =	vor.u32 v7, v9;
	_ =	sdelay $0x1  }
0x319: {  	s9 =	simm.s32 $0x2  }
0x31a: {  	s6 =	simm.s32 $0x3;
	v9 =	vmov s9  }
.LBB2_63:
0x31b: {  	p1 =	sne.s32 s6, $0x3F;
	v10 =	vshll.u32 v9, $0x8;
	[tilespmem:v8+s16+$0x0] =	vst.idx.msk vm1, v6  }
0x31c: {  	v9 =	vshll.u32 v9, $0x7;
	v8 =	vand.u32 $0x3800, v10;
	v6 =	vld.idx.msk [tilespmem:v7+s10+$0x0], vm1  }
.Ltmp53:
0x31d: {  	v7 =	vand.u32 $0x380, v9;
	v9 =	vadd.s32 v8, v4;
	v8 =	vadd.s32 s28, v5;
	s28 =	smov.u32 s9;
	s9 =	smov.u32 s6;
	(pc) =	sbr.rel @p1 .LBB2_63-.Ltmp53, $2  }
0x31e: {  	v7 =	vor.u32 v7, v9;
	_ =	sdelay $0x2  }
0x31f: {  	s6 =	sadd.s32 $0x1, s6;
	v9 =	vmov s9  }
0x320: {  	_ =	sdelay $0x3  }
0x321: {  	v10 =	vshll.u32 v9, $0x8  }
0x322: {  	[tilespmem:v8+s16+$0x0] =	vst.idx.msk vm1, v6;
	v62 =	vshll.u32 v9, $0x7;
	v61 =	vand.u32 $0x3800, v10  }
0x323: {  	v63 =	vadd.s32 s28, v5;
	v7 =	vld.idx.msk [tilespmem:v7+s10+$0x0], vm1;
	v8 =	vand.u32 $0x380, v62;
	v4 =	vadd.s32 v61, v4  }
0x324: {  	v4 =	vor.u32 v8, v4;
	_ =	sdelay $0x3  }
0x325: {  	[tilespmem:v63+s16+$0x0] =	vst.idx.msk vm1, v7  }
0x326: {  	v5 =	vadd.s32 s9, v5;
	v4 =	vld.idx.msk [tilespmem:v4+s10+$0x0], vm1  }
.Ltmp54:
0x327: {  	_ = 	snop;
	(pc) =	sbr.rel .LBB2_65-.Ltmp54, $2  }
0x328: {  	_ =	sdelay $0x2  }
0x329: {  	[tilespmem:v5+s16+$0x0] =	vst.idx.msk vm1, v4  }
.LBB2_67:
0x32a: {  	_ =	sfence.sel $0x180000  }
0x32b: {  	[bflag:$0x0] =	sbarrier.arrive $0xFFFF  }
0x32c: {  	_ =	strace $0x90000047  }
0x32d: {  	s0 =	stileid.u32;
	[bflag:$0x2] =	sbarrier.arrive $0xFFFF  }
0x32e: {  	p0 =	sne.s32 s0, $0x0;
	s0 =	rddreg [dreg:$0x3]  }
0x32f: {  	s0 =	sadd.s32 @!p0 $0x100000, s0  }
0x330: {  	[sflag:s0] =	ssyncadd.tile.s32 @!p0 $0x1;
	_ =	shalt  }
.Lfunc_end2:
_tile_overlayer_lowered:
.L_overlay_start_2:
0x331: {  	(tag) =	ssettag $0x2  }
0x332: {  	s0 =	rddreg [dreg:$0x0];
	s2 =	stileid.u32  }
0x333: {  	s1 =	rddreg [dreg:$0x1];
	p0 =	sne.s32 s2, $0x0  }
0x334: {  	s3 =	rddreg [dreg:$0x2];
	[bflag:$0x3] =	sbarrier.arrive $0xFFFF;
	s2 =	simm.s32 @!p0 $0x1C05  }
0x335: {  	[timem:s3], [sflag:s2] =	dma.local @!p0 [hbm:s0], s1  }
0x336: {  	s0 =	simm.s32 @!p0 $0x5  }
0x337: {  	_ =	swait.ge @!p0 [sflag:s0], s1  }
0x338: {  	s1 =	ssub.s32 @!p0 $0x0, s1;
	[sflag:s0] =	ssyncset.done @!p0 $0x0  }
0x339: {  	[sflag:s0] =	ssyncadd.s32 @!p0 s1  }
0x33a: {  	[bflag:$0x3] =	sbarrier.arrive $0xFFFF  }
0x33b: {  	_ =	shalt  }

</sc_bundles>
